<compile_context>
chip_gen: v7x
topology: tpu7x:2x2x1
jax: 0.10.2.dev20260603
libtpu: 0.0.44.dev20260713+nightly
codegen_flags: <defaults>
</compile_context>

<pallas_src>
import functools

import jax
import jax.numpy as jnp
from jax import lax
from jax.experimental import pallas as pl
from jax.experimental.pallas import tpu as pltpu
from jax.experimental.pallas import tpu_sc as plsc

D_MODEL = 1024
LANES = 16
NUM_CORES = 2
NUM_SUBCORES = 16
NUM_WORKERS = NUM_CORES * NUM_SUBCORES
B_TOTAL = 32768
B_PER_W = B_TOTAL // NUM_WORKERS
CHUNK = 8
NBUF = 4
LOOKAHEAD = 2
N_CHUNKS = B_PER_W // CHUNK
N_SUPER = N_CHUNKS // NBUF
N_SLICES = CHUNK * (D_MODEL // LANES)


def _sc_body(x_hbm, pos_hbm, pe_hbm, out_hbm,
             idx_all, pe_v, x_v, gat_sem, xin_sem, out_sem):
    wid = lax.axis_index("s") * NUM_CORES + lax.axis_index("c")
    base = wid * B_PER_W

    pltpu.sync_copy(pos_hbm.at[pl.ds(base, B_PER_W)], idx_all)

    def idx_ref(c):
        return idx_all.at[pl.ds(c * CHUNK, CHUNK)]

    def rows(c):
        return pl.ds(base + c * CHUNK, CHUNK)

    def issue_loads(c, s):
        pltpu.async_copy(pe_hbm.at[idx_ref(c)], pe_v.at[s], gat_sem.at[s])
        pltpu.async_copy(x_hbm.at[rows(c)], x_v.at[s], xin_sem.at[s])

    for c in range(LOOKAHEAD):
        issue_loads(c, c)

    def super_step(g, _):
        for b in range(NBUF):
            c = g * NBUF + b
            cl = c + LOOKAHEAD
            sl = (b + LOOKAHEAD) % NBUF

            @pl.when(cl < N_CHUNKS)
            def _():
                @pl.when(cl >= NBUF)
                def _():
                    pltpu.make_async_copy(
                        x_v.at[sl], out_hbm.at[rows(cl - NBUF)],
                        out_sem.at[sl]).wait()
                issue_loads(cl, sl)

            pltpu.make_async_copy(
                pe_hbm.at[idx_ref(c)], pe_v.at[b], gat_sem.at[b]).wait()
            pltpu.make_async_copy(
                x_hbm.at[rows(c)], x_v.at[b], xin_sem.at[b]).wait()

            n_sl = D_MODEL // LANES

            @plsc.parallel_loop(0, N_SLICES, 1, unroll=8)
            def _(i):
                t = i // n_sl
                j = i - t * n_sl
                d = pl.ds(j * LANES, LANES)
                plsc.addupdate(x_v.at[b, t, d], pe_v[b, t, d])

            pltpu.async_copy(x_v.at[b], out_hbm.at[rows(c)], out_sem.at[b])
        return 0

    lax.fori_loop(0, N_SUPER, super_step, 0)

    for b in range(NBUF):
        c = N_CHUNKS - NBUF + b
        pltpu.make_async_copy(
            x_v.at[b], out_hbm.at[rows(c)], out_sem.at[b]).wait()


@jax.jit
def _pe_add(x2d, pos1d, pe):
    mesh = plsc.VectorSubcoreMesh(core_axis_name="c", subcore_axis_name="s")
    kern = functools.partial(
        pl.kernel,
        mesh=mesh,
        out_type=jax.ShapeDtypeStruct((B_TOTAL, D_MODEL), jnp.float32),
        scratch_types=[
            pltpu.VMEM((B_PER_W,), jnp.int32),
            pltpu.VMEM((NBUF, CHUNK, D_MODEL), jnp.float32),
            pltpu.VMEM((NBUF, CHUNK, D_MODEL), jnp.float32),
            pltpu.SemaphoreType.DMA((NBUF,)),
            pltpu.SemaphoreType.DMA((NBUF,)),
            pltpu.SemaphoreType.DMA((NBUF,)),
        ],
    )(_sc_body)
    return kern(x2d, pos1d, pe)


def kernel(x, position, pe):
    b, s, d = x.shape
    x2d = x.reshape(b * s, d)
    pos1d = position.reshape(b * s).astype(jnp.int32)
    out = _pe_add(x2d, pos1d, pe)
    return out.reshape(b, s, d)

# --- scband reference (transcript-rebuilt; emitter-appended) ---
"""Pipeline reference for scband-positional-encoding-24781961298401 (READ-ONLY COPY).

The authoritative reference and input builder live on the scoring server;
editing this copy changes nothing except your own understanding.
"""

import math
import jax, jax.numpy as jnp
import numpy as np

D_MODEL = 1024
MAX_LEN = 8192
BATCH = 4
SEQ = 8192

def _build_pe(max_len, d_model):
    position = jnp.arange(0, max_len, dtype=jnp.float32)[:, None]
    div_term = jnp.exp(jnp.arange(0, d_model, 2, dtype=jnp.float32) * -(math.log(10000.0) / d_model))
    pe = jnp.zeros((max_len, d_model), dtype=jnp.float32)
    pe = pe.at[:, 0::2].set(jnp.sin(position * div_term))
    pe = pe.at[:, 1::2].set(jnp.cos(position * div_term))
    return pe

def setup_inputs(seed: int = 0) -> dict:
    key = jax.random.key(seed)
    k1, k2 = jax.random.split(key)
    x = jax.random.normal(k1, (BATCH, SEQ, D_MODEL), dtype=jnp.float32)
    position = jax.random.randint(k2, (BATCH, SEQ), 0, MAX_LEN, dtype=jnp.int64 if jax.config.read('jax_enable_x64') else jnp.int32)
    pe = _build_pe(MAX_LEN, D_MODEL)
    return {"x": x, "position": position, "pe": pe}

def reference(x, position, pe):
    # x = x + pe[position]; dropout(p=0.0) is identity
    out = x + jnp.take(pe, position, axis=0)
    return out

if __name__ == "__main__":
    import jax
    _d = setup_inputs()
    print(jax.jit(kernel)(*tuple(_d.values())))

</pallas_src>

<mosaic_0001>
#map = affine_map<(d0, d1) -> (0, 0)>
#map1 = affine_map<(d0, d1) -> (0)>
module attributes {stable_mosaic.version = 14 : i64} {
  func.func @_sc_body(%arg0: i32, %arg1: i32, %arg2: memref<32768x1024xf32, #tpu.memory_space<hbm>>, %arg3: memref<32768xi32, #tpu.memory_space<hbm>>, %arg4: memref<8192x1024xf32, #tpu.memory_space<hbm>>, %arg5: memref<32768x1024xf32, #tpu.memory_space<hbm>>, %arg6: memref<1024xi32, #tpu.memory_space<vmem>>, %arg7: memref<4x8x1024xf32, #tpu.memory_space<vmem>>, %arg8: memref<4x8x1024xf32, #tpu.memory_space<vmem>>, %arg9: memref<4x!tpu.dma_semaphore, #tpu.memory_space<semaphore_mem>>, %arg10: memref<4x!tpu.dma_semaphore, #tpu.memory_space<semaphore_mem>>, %arg11: memref<4x!tpu.dma_semaphore, #tpu.memory_space<semaphore_mem>>) attributes {dimension_semantics = [#tpu.dimension_semantics<core_parallel>, #tpu.dimension_semantics<subcore_parallel>], iteration_bounds = array<i64: 2, 16>, scalar_prefetch = 0 : i64, scratch_operands = 6 : i64, tpu.core_type = #tpu.core_type<sc_vector_subcore>, window_params = [{transform_indices = #map}, {transform_indices = #map1}, {transform_indices = #map}, {transform_indices = #map}]} {
    %mul3A = arith.constant 2 : i32
    %mul3A_0 = arith.muli %arg1, %mul3A : i32
    %add3A = arith.addi %mul3A_0, %arg0 : i32
    %mul3A_1 = arith.constant 1024 : i32
    %mul3A_2 = arith.muli %add3A, %mul3A_1 : i32
    "tpu.region"() ({
      %run_scoped3A = tpu.sem_alloc : memref<!tpu.dma_semaphore, #tpu.memory_space<semaphore_mem>>
      %dma_start3A_141 = tpu.memref_slice %arg3[%mul3A_2] : memref<32768xi32, #tpu.memory_space<hbm>> -> memref<1024xi32, #tpu.memory_space<hbm>>
      %dma_start3A_142 = tpu.memref_slice %arg3[%mul3A_2] : memref<32768xi32, #tpu.memory_space<hbm>> -> memref<1024xi32, #tpu.memory_space<hbm>>
      tpu.enqueue_dma source(%dma_start3A_142 : memref<1024xi32, #tpu.memory_space<hbm>>) target(%arg6 : memref<1024xi32, #tpu.memory_space<vmem>>) target_semaphore(%run_scoped3A : memref<!tpu.dma_semaphore, #tpu.memory_space<semaphore_mem>>)
      %dma_wait3A_143 = tpu.memref_slice %arg3[%mul3A_2] : memref<32768xi32, #tpu.memory_space<hbm>> -> memref<1024xi32, #tpu.memory_space<hbm>>
      %dma_wait3A_144 = tpu.memref_slice %arg3[%mul3A_2] : memref<32768xi32, #tpu.memory_space<hbm>> -> memref<1024xi32, #tpu.memory_space<hbm>>
      tpu.wait_dma2 semaphore(%run_scoped3A : memref<!tpu.dma_semaphore, #tpu.memory_space<semaphore_mem>>) src(%dma_wait3A_144 : memref<1024xi32, #tpu.memory_space<hbm>>) dst(%arg6 : memref<1024xi32, #tpu.memory_space<vmem>>)
      tpu.yield
    }) : () -> ()
    %dma_start3A = arith.constant 0 : i32
    %dma_start3A_3 = arith.constant 0 : i32
    %dma_start3A_4 = arith.constant 0 : i32
    %dma_start3A_5 = arith.constant 0 : i32
    %dma_start3A_6 = tpu.memref_slice %arg7[%dma_start3A, %dma_start3A_4, %dma_start3A_5] : memref<4x8x1024xf32, #tpu.memory_space<vmem>> -> memref<1x8x1024xf32, #tpu.memory_space<vmem>>
    %dma_start3A_7 = tpu.memref_squeeze %dma_start3A_6 : memref<1x8x1024xf32, #tpu.memory_space<vmem>> -> memref<8x1024xf32, #tpu.memory_space<vmem>>
    %dma_start3A_8 = arith.constant 0 : i32
    %dma_start3A_9 = tpu.memref_slice %arg6[%dma_start3A_8] : memref<1024xi32, #tpu.memory_space<vmem>> -> memref<8xi32, #tpu.memory_space<vmem>>
    %dma_start3A_10 = arith.constant 0 : i32
    %dma_start3A_11 = arith.constant 0 : i32
    %dma_start3A_12 = tpu.memref_slice %arg4[%dma_start3A_10, %dma_start3A_11] : memref<8192x1024xf32, #tpu.memory_space<hbm>> -> memref<8192x1024xf32, #tpu.memory_space<hbm>>
    %dma_start3A_13 = tpu.memref_slice %arg9[%dma_start3A_3] : memref<4x!tpu.dma_semaphore, #tpu.memory_space<semaphore_mem>> -> memref<1x!tpu.dma_semaphore, #tpu.memory_space<semaphore_mem>>
    %dma_start3A_14 = tpu.memref_squeeze %dma_start3A_13 : memref<1x!tpu.dma_semaphore, #tpu.memory_space<semaphore_mem>> -> memref<!tpu.dma_semaphore, #tpu.memory_space<semaphore_mem>>
    tpu.enqueue_indirect_dma source(%dma_start3A_12 : memref<8192x1024xf32, #tpu.memory_space<hbm>>) target(%dma_start3A_7 : memref<8x1024xf32, #tpu.memory_space<vmem>>) offsets(%dma_start3A_9 : memref<8xi32, #tpu.memory_space<vmem>>) semaphore(%dma_start3A_14 : memref<!tpu.dma_semaphore, #tpu.memory_space<semaphore_mem>>)
    %add3A_15 = arith.constant 0 : i32
    %add3A_16 = arith.addi %mul3A_2, %add3A_15 : i32
    %dma_start3A_17 = arith.constant 0 : i32
    %dma_start3A_18 = arith.constant 0 : i32
    %dma_start3A_19 = arith.constant 0 : i32
    %dma_start3A_20 = arith.constant 0 : i32
    %dma_start3A_21 = tpu.memref_slice %arg8[%dma_start3A_17, %dma_start3A_19, %dma_start3A_20] : memref<4x8x1024xf32, #tpu.memory_space<vmem>> -> memref<1x8x1024xf32, #tpu.memory_space<vmem>>
    %dma_start3A_22 = tpu.memref_squeeze %dma_start3A_21 : memref<1x8x1024xf32, #tpu.memory_space<vmem>> -> memref<8x1024xf32, #tpu.memory_space<vmem>>
    %dma_start3A_23 = arith.constant 0 : i32
    %dma_start3A_24 = tpu.memref_slice %arg2[%add3A_16, %dma_start3A_23] : memref<32768x1024xf32, #tpu.memory_space<hbm>> -> memref<8x1024xf32, #tpu.memory_space<hbm>>
    %dma_start3A_25 = tpu.memref_slice %arg10[%dma_start3A_18] : memref<4x!tpu.dma_semaphore, #tpu.memory_space<semaphore_mem>> -> memref<1x!tpu.dma_semaphore, #tpu.memory_space<semaphore_mem>>
    %dma_start3A_26 = tpu.memref_squeeze %dma_start3A_25 : memref<1x!tpu.dma_semaphore, #tpu.memory_space<semaphore_mem>> -> memref<!tpu.dma_semaphore, #tpu.memory_space<semaphore_mem>>
    %dma_start3A_27 = arith.constant 0 : i32
    %dma_start3A_28 = arith.constant 0 : i32
    %dma_start3A_29 = tpu.memref_slice %arg8[%dma_start3A_17, %dma_start3A_27, %dma_start3A_28] : memref<4x8x1024xf32, #tpu.memory_space<vmem>> -> memref<1x8x1024xf32, #tpu.memory_space<vmem>>
    %dma_start3A_30 = tpu.memref_squeeze %dma_start3A_29 : memref<1x8x1024xf32, #tpu.memory_space<vmem>> -> memref<8x1024xf32, #tpu.memory_space<vmem>>
    %dma_start3A_31 = arith.constant 0 : i32
    %dma_start3A_32 = tpu.memref_slice %arg2[%add3A_16, %dma_start3A_31] : memref<32768x1024xf32, #tpu.memory_space<hbm>> -> memref<8x1024xf32, #tpu.memory_space<hbm>>
    tpu.enqueue_dma source(%dma_start3A_32 : memref<8x1024xf32, #tpu.memory_space<hbm>>) target(%dma_start3A_30 : memref<8x1024xf32, #tpu.memory_space<vmem>>) target_semaphore(%dma_start3A_26 : memref<!tpu.dma_semaphore, #tpu.memory_space<semaphore_mem>>)
    %dma_start3A_33 = arith.constant 1 : i32
    %dma_start3A_34 = arith.constant 1 : i32
    %dma_start3A_35 = arith.constant 0 : i32
    %dma_start3A_36 = arith.constant 0 : i32
    %dma_start3A_37 = tpu.memref_slice %arg7[%dma_start3A_33, %dma_start3A_35, %dma_start3A_36] : memref<4x8x1024xf32, #tpu.memory_space<vmem>> -> memref<1x8x1024xf32, #tpu.memory_space<vmem>>
    %dma_start3A_38 = tpu.memref_squeeze %dma_start3A_37 : memref<1x8x1024xf32, #tpu.memory_space<vmem>> -> memref<8x1024xf32, #tpu.memory_space<vmem>>
    %dma_start3A_39 = arith.constant 8 : i32
    %dma_start3A_40 = tpu.memref_slice %arg6[%dma_start3A_39] : memref<1024xi32, #tpu.memory_space<vmem>> -> memref<8xi32, #tpu.memory_space<vmem>>
    %dma_start3A_41 = arith.constant 0 : i32
    %dma_start3A_42 = arith.constant 0 : i32
    %dma_start3A_43 = tpu.memref_slice %arg4[%dma_start3A_41, %dma_start3A_42] : memref<8192x1024xf32, #tpu.memory_space<hbm>> -> memref<8192x1024xf32, #tpu.memory_space<hbm>>
    %dma_start3A_44 = tpu.memref_slice %arg9[%dma_start3A_34] : memref<4x!tpu.dma_semaphore, #tpu.memory_space<semaphore_mem>> -> memref<1x!tpu.dma_semaphore, #tpu.memory_space<semaphore_mem>>
    %dma_start3A_45 = tpu.memref_squeeze %dma_start3A_44 : memref<1x!tpu.dma_semaphore, #tpu.memory_space<semaphore_mem>> -> memref<!tpu.dma_semaphore, #tpu.memory_space<semaphore_mem>>
    tpu.enqueue_indirect_dma source(%dma_start3A_43 : memref<8192x1024xf32, #tpu.memory_space<hbm>>) target(%dma_start3A_38 : memref<8x1024xf32, #tpu.memory_space<vmem>>) offsets(%dma_start3A_40 : memref<8xi32, #tpu.memory_space<vmem>>) semaphore(%dma_start3A_45 : memref<!tpu.dma_semaphore, #tpu.memory_space<semaphore_mem>>)
    %add3A_46 = arith.constant 8 : i32
    %add3A_47 = arith.addi %mul3A_2, %add3A_46 : i32
    %dma_start3A_48 = arith.constant 1 : i32
    %dma_start3A_49 = arith.constant 1 : i32
    %dma_start3A_50 = arith.constant 0 : i32
    %dma_start3A_51 = arith.constant 0 : i32
    %dma_start3A_52 = tpu.memref_slice %arg8[%dma_start3A_48, %dma_start3A_50, %dma_start3A_51] : memref<4x8x1024xf32, #tpu.memory_space<vmem>> -> memref<1x8x1024xf32, #tpu.memory_space<vmem>>
    %dma_start3A_53 = tpu.memref_squeeze %dma_start3A_52 : memref<1x8x1024xf32, #tpu.memory_space<vmem>> -> memref<8x1024xf32, #tpu.memory_space<vmem>>
    %dma_start3A_54 = arith.constant 0 : i32
    %dma_start3A_55 = tpu.memref_slice %arg2[%add3A_47, %dma_start3A_54] : memref<32768x1024xf32, #tpu.memory_space<hbm>> -> memref<8x1024xf32, #tpu.memory_space<hbm>>
    %dma_start3A_56 = tpu.memref_slice %arg10[%dma_start3A_49] : memref<4x!tpu.dma_semaphore, #tpu.memory_space<semaphore_mem>> -> memref<1x!tpu.dma_semaphore, #tpu.memory_space<semaphore_mem>>
    %dma_start3A_57 = tpu.memref_squeeze %dma_start3A_56 : memref<1x!tpu.dma_semaphore, #tpu.memory_space<semaphore_mem>> -> memref<!tpu.dma_semaphore, #tpu.memory_space<semaphore_mem>>
    %dma_start3A_58 = arith.constant 0 : i32
    %dma_start3A_59 = arith.constant 0 : i32
    %dma_start3A_60 = tpu.memref_slice %arg8[%dma_start3A_48, %dma_start3A_58, %dma_start3A_59] : memref<4x8x1024xf32, #tpu.memory_space<vmem>> -> memref<1x8x1024xf32, #tpu.memory_space<vmem>>
    %dma_start3A_61 = tpu.memref_squeeze %dma_start3A_60 : memref<1x8x1024xf32, #tpu.memory_space<vmem>> -> memref<8x1024xf32, #tpu.memory_space<vmem>>
    %dma_start3A_62 = arith.constant 0 : i32
    %dma_start3A_63 = tpu.memref_slice %arg2[%add3A_47, %dma_start3A_62] : memref<32768x1024xf32, #tpu.memory_space<hbm>> -> memref<8x1024xf32, #tpu.memory_space<hbm>>
    tpu.enqueue_dma source(%dma_start3A_63 : memref<8x1024xf32, #tpu.memory_space<hbm>>) target(%dma_start3A_61 : memref<8x1024xf32, #tpu.memory_space<vmem>>) target_semaphore(%dma_start3A_57 : memref<!tpu.dma_semaphore, #tpu.memory_space<semaphore_mem>>)
    %scan3A = arith.constant 0 : i32
    %scan3A_64 = arith.constant 0 : i32
    %scan3A_65 = arith.constant 32 : i32
    %scan3A_66 = arith.addi %scan3A_64, %scan3A_65 : i32
    %scan3A_67 = arith.constant 1 : i32
    %scan3A_68 = scf.for %scan3A_141 = %scan3A_64 to %scan3A_66 step %scan3A_67 iter_args(%scan3A_142 = %scan3A) -> (i32)  : i32 {
      %mul3A_143 = arith.constant 4 : i32
      %mul3A_144 = arith.muli %scan3A_141, %mul3A_143 : i32
      %add3A_145 = arith.constant 0 : i32
      %add3A_146 = arith.addi %mul3A_144, %add3A_145 : i32
      %add3A_147 = arith.constant 2 : i32
      %add3A_148 = arith.addi %add3A_146, %add3A_147 : i32
      %lt3A = arith.constant 128 : i32
      %lt3A_149 = arith.cmpi slt, %add3A_148, %lt3A : i32
      %convert_element_type3A = arith.extui %lt3A_149 : i1 to i32
      %cond3A = arith.constant 0 : i32
      %cond3A_150 = arith.cmpi ne, %convert_element_type3A, %cond3A : i32
      scf.if %cond3A_150 {
        %ge3A = arith.constant 4 : i32
        %ge3A_404 = arith.cmpi sge, %add3A_148, %ge3A : i32
        %convert_element_type3A_405 = arith.extui %ge3A_404 : i1 to i32
        %cond3A_406 = arith.constant 0 : i32
        %cond3A_407 = arith.cmpi ne, %convert_element_type3A_405, %cond3A_406 : i32
        scf.if %cond3A_407 {
          %sub3A = arith.constant 4 : i32
          %sub3A_441 = arith.subi %add3A_148, %sub3A : i32
          %mul3A_442 = arith.constant 8 : i32
          %mul3A_443 = arith.muli %sub3A_441, %mul3A_442 : i32
          %add3A_444 = arith.addi %mul3A_2, %mul3A_443 : i32
          %dma_wait3A_445 = arith.constant 2 : i32
          %dma_wait3A_446 = arith.constant 2 : i32
          %dma_wait3A_447 = arith.constant 0 : i32
          %dma_wait3A_448 = arith.constant 0 : i32
          %dma_wait3A_449 = tpu.memref_slice %arg8[%dma_wait3A_445, %dma_wait3A_447, %dma_wait3A_448] : memref<4x8x1024xf32, #tpu.memory_space<vmem>> -> memref<1x8x1024xf32, #tpu.memory_space<vmem>>
          %dma_wait3A_450 = tpu.memref_squeeze %dma_wait3A_449 : memref<1x8x1024xf32, #tpu.memory_space<vmem>> -> memref<8x1024xf32, #tpu.memory_space<vmem>>
          %dma_wait3A_451 = arith.constant 0 : i32
          %dma_wait3A_452 = tpu.memref_slice %arg5[%add3A_444, %dma_wait3A_451] : memref<32768x1024xf32, #tpu.memory_space<hbm>> -> memref<8x1024xf32, #tpu.memory_space<hbm>>
          %dma_wait3A_453 = tpu.memref_slice %arg11[%dma_wait3A_446] : memref<4x!tpu.dma_semaphore, #tpu.memory_space<semaphore_mem>> -> memref<1x!tpu.dma_semaphore, #tpu.memory_space<semaphore_mem>>
          %dma_wait3A_454 = tpu.memref_squeeze %dma_wait3A_453 : memref<1x!tpu.dma_semaphore, #tpu.memory_space<semaphore_mem>> -> memref<!tpu.dma_semaphore, #tpu.memory_space<semaphore_mem>>
          %dma_wait3A_455 = arith.constant 0 : i32
          %dma_wait3A_456 = tpu.memref_slice %arg5[%add3A_444, %dma_wait3A_455] : memref<32768x1024xf32, #tpu.memory_space<hbm>> -> memref<8x1024xf32, #tpu.memory_space<hbm>>
          %dma_wait3A_457 = arith.constant 0 : i32
          %dma_wait3A_458 = arith.constant 0 : i32
          %dma_wait3A_459 = tpu.memref_slice %arg8[%dma_wait3A_445, %dma_wait3A_457, %dma_wait3A_458] : memref<4x8x1024xf32, #tpu.memory_space<vmem>> -> memref<1x8x1024xf32, #tpu.memory_space<vmem>>
          %dma_wait3A_460 = tpu.memref_squeeze %dma_wait3A_459 : memref<1x8x1024xf32, #tpu.memory_space<vmem>> -> memref<8x1024xf32, #tpu.memory_space<vmem>>
          tpu.wait_dma2 semaphore(%dma_wait3A_454 : memref<!tpu.dma_semaphore, #tpu.memory_space<semaphore_mem>>) src(%dma_wait3A_460 : memref<8x1024xf32, #tpu.memory_space<vmem>>) dst(%dma_wait3A_456 : memref<8x1024xf32, #tpu.memory_space<hbm>>)
        } else {
        }
        %mul3A_408 = arith.constant 8 : i32
        %mul3A_409 = arith.muli %add3A_148, %mul3A_408 : i32
        %dma_start3A_410 = arith.constant 2 : i32
        %dma_start3A_411 = arith.constant 2 : i32
        %dma_start3A_412 = arith.constant 0 : i32
        %dma_start3A_413 = arith.constant 0 : i32
        %dma_start3A_414 = tpu.memref_slice %arg7[%dma_start3A_410, %dma_start3A_412, %dma_start3A_413] : memref<4x8x1024xf32, #tpu.memory_space<vmem>> -> memref<1x8x1024xf32, #tpu.memory_space<vmem>>
        %dma_start3A_415 = tpu.memref_squeeze %dma_start3A_414 : memref<1x8x1024xf32, #tpu.memory_space<vmem>> -> memref<8x1024xf32, #tpu.memory_space<vmem>>
        %dma_start3A_416 = tpu.memref_slice %arg6[%mul3A_409] : memref<1024xi32, #tpu.memory_space<vmem>> -> memref<8xi32, #tpu.memory_space<vmem>>
        %dma_start3A_417 = arith.constant 0 : i32
        %dma_start3A_418 = arith.constant 0 : i32
        %dma_start3A_419 = tpu.memref_slice %arg4[%dma_start3A_417, %dma_start3A_418] : memref<8192x1024xf32, #tpu.memory_space<hbm>> -> memref<8192x1024xf32, #tpu.memory_space<hbm>>
        %dma_start3A_420 = tpu.memref_slice %arg9[%dma_start3A_411] : memref<4x!tpu.dma_semaphore, #tpu.memory_space<semaphore_mem>> -> memref<1x!tpu.dma_semaphore, #tpu.memory_space<semaphore_mem>>
        %dma_start3A_421 = tpu.memref_squeeze %dma_start3A_420 : memref<1x!tpu.dma_semaphore, #tpu.memory_space<semaphore_mem>> -> memref<!tpu.dma_semaphore, #tpu.memory_space<semaphore_mem>>
        tpu.enqueue_indirect_dma source(%dma_start3A_419 : memref<8192x1024xf32, #tpu.memory_space<hbm>>) target(%dma_start3A_415 : memref<8x1024xf32, #tpu.memory_space<vmem>>) offsets(%dma_start3A_416 : memref<8xi32, #tpu.memory_space<vmem>>) semaphore(%dma_start3A_421 : memref<!tpu.dma_semaphore, #tpu.memory_space<semaphore_mem>>)
        %mul3A_422 = arith.constant 8 : i32
        %mul3A_423 = arith.muli %add3A_148, %mul3A_422 : i32
        %add3A_424 = arith.addi %mul3A_2, %mul3A_423 : i32
        %dma_start3A_425 = arith.constant 2 : i32
        %dma_start3A_426 = arith.constant 2 : i32
        %dma_start3A_427 = arith.constant 0 : i32
        %dma_start3A_428 = arith.constant 0 : i32
        %dma_start3A_429 = tpu.memref_slice %arg8[%dma_start3A_425, %dma_start3A_427, %dma_start3A_428] : memref<4x8x1024xf32, #tpu.memory_space<vmem>> -> memref<1x8x1024xf32, #tpu.memory_space<vmem>>
        %dma_start3A_430 = tpu.memref_squeeze %dma_start3A_429 : memref<1x8x1024xf32, #tpu.memory_space<vmem>> -> memref<8x1024xf32, #tpu.memory_space<vmem>>
        %dma_start3A_431 = arith.constant 0 : i32
        %dma_start3A_432 = tpu.memref_slice %arg2[%add3A_424, %dma_start3A_431] : memref<32768x1024xf32, #tpu.memory_space<hbm>> -> memref<8x1024xf32, #tpu.memory_space<hbm>>
        %dma_start3A_433 = tpu.memref_slice %arg10[%dma_start3A_426] : memref<4x!tpu.dma_semaphore, #tpu.memory_space<semaphore_mem>> -> memref<1x!tpu.dma_semaphore, #tpu.memory_space<semaphore_mem>>
        %dma_start3A_434 = tpu.memref_squeeze %dma_start3A_433 : memref<1x!tpu.dma_semaphore, #tpu.memory_space<semaphore_mem>> -> memref<!tpu.dma_semaphore, #tpu.memory_space<semaphore_mem>>
        %dma_start3A_435 = arith.constant 0 : i32
        %dma_start3A_436 = arith.constant 0 : i32
        %dma_start3A_437 = tpu.memref_slice %arg8[%dma_start3A_425, %dma_start3A_435, %dma_start3A_436] : memref<4x8x1024xf32, #tpu.memory_space<vmem>> -> memref<1x8x1024xf32, #tpu.memory_space<vmem>>
        %dma_start3A_438 = tpu.memref_squeeze %dma_start3A_437 : memref<1x8x1024xf32, #tpu.memory_space<vmem>> -> memref<8x1024xf32, #tpu.memory_space<vmem>>
        %dma_start3A_439 = arith.constant 0 : i32
        %dma_start3A_440 = tpu.memref_slice %arg2[%add3A_424, %dma_start3A_439] : memref<32768x1024xf32, #tpu.memory_space<hbm>> -> memref<8x1024xf32, #tpu.memory_space<hbm>>
        tpu.enqueue_dma source(%dma_start3A_440 : memref<8x1024xf32, #tpu.memory_space<hbm>>) target(%dma_start3A_438 : memref<8x1024xf32, #tpu.memory_space<vmem>>) target_semaphore(%dma_start3A_434 : memref<!tpu.dma_semaphore, #tpu.memory_space<semaphore_mem>>)
      } else {
      }
      %mul3A_151 = arith.constant 8 : i32
      %mul3A_152 = arith.muli %add3A_146, %mul3A_151 : i32
      %dma_wait3A_153 = arith.constant 0 : i32
      %dma_wait3A_154 = arith.constant 0 : i32
      %dma_wait3A_155 = arith.constant 0 : i32
      %dma_wait3A_156 = arith.constant 0 : i32
      %dma_wait3A_157 = tpu.memref_slice %arg7[%dma_wait3A_153, %dma_wait3A_155, %dma_wait3A_156] : memref<4x8x1024xf32, #tpu.memory_space<vmem>> -> memref<1x8x1024xf32, #tpu.memory_space<vmem>>
      %dma_wait3A_158 = tpu.memref_squeeze %dma_wait3A_157 : memref<1x8x1024xf32, #tpu.memory_space<vmem>> -> memref<8x1024xf32, #tpu.memory_space<vmem>>
      %dma_wait3A_159 = tpu.memref_slice %arg6[%mul3A_152] : memref<1024xi32, #tpu.memory_space<vmem>> -> memref<8xi32, #tpu.memory_space<vmem>>
      %dma_wait3A_160 = arith.constant 0 : i32
      %dma_wait3A_161 = arith.constant 0 : i32
      %dma_wait3A_162 = tpu.memref_slice %arg4[%dma_wait3A_160, %dma_wait3A_161] : memref<8192x1024xf32, #tpu.memory_space<hbm>> -> memref<8192x1024xf32, #tpu.memory_space<hbm>>
      %dma_wait3A_163 = tpu.memref_slice %arg9[%dma_wait3A_154] : memref<4x!tpu.dma_semaphore, #tpu.memory_space<semaphore_mem>> -> memref<1x!tpu.dma_semaphore, #tpu.memory_space<semaphore_mem>>
      %dma_wait3A_164 = tpu.memref_squeeze %dma_wait3A_163 : memref<1x!tpu.dma_semaphore, #tpu.memory_space<semaphore_mem>> -> memref<!tpu.dma_semaphore, #tpu.memory_space<semaphore_mem>>
      tpu.wait_indirect_dma semaphore(%dma_wait3A_164 : memref<!tpu.dma_semaphore, #tpu.memory_space<semaphore_mem>>) src(%dma_wait3A_162 : memref<8192x1024xf32, #tpu.memory_space<hbm>>) dst(%dma_wait3A_158 : memref<8x1024xf32, #tpu.memory_space<vmem>>)
      %mul3A_165 = arith.constant 8 : i32
      %mul3A_166 = arith.muli %add3A_146, %mul3A_165 : i32
      %add3A_167 = arith.addi %mul3A_2, %mul3A_166 : i32
      %dma_wait3A_168 = arith.constant 0 : i32
      %dma_wait3A_169 = arith.constant 0 : i32
      %dma_wait3A_170 = arith.constant 0 : i32
      %dma_wait3A_171 = arith.constant 0 : i32
      %dma_wait3A_172 = tpu.memref_slice %arg8[%dma_wait3A_168, %dma_wait3A_170, %dma_wait3A_171] : memref<4x8x1024xf32, #tpu.memory_space<vmem>> -> memref<1x8x1024xf32, #tpu.memory_space<vmem>>
      %dma_wait3A_173 = tpu.memref_squeeze %dma_wait3A_172 : memref<1x8x1024xf32, #tpu.memory_space<vmem>> -> memref<8x1024xf32, #tpu.memory_space<vmem>>
      %dma_wait3A_174 = arith.constant 0 : i32
      %dma_wait3A_175 = tpu.memref_slice %arg2[%add3A_167, %dma_wait3A_174] : memref<32768x1024xf32, #tpu.memory_space<hbm>> -> memref<8x1024xf32, #tpu.memory_space<hbm>>
      %dma_wait3A_176 = tpu.memref_slice %arg10[%dma_wait3A_169] : memref<4x!tpu.dma_semaphore, #tpu.memory_space<semaphore_mem>> -> memref<1x!tpu.dma_semaphore, #tpu.memory_space<semaphore_mem>>
      %dma_wait3A_177 = tpu.memref_squeeze %dma_wait3A_176 : memref<1x!tpu.dma_semaphore, #tpu.memory_space<semaphore_mem>> -> memref<!tpu.dma_semaphore, #tpu.memory_space<semaphore_mem>>
      %dma_wait3A_178 = arith.constant 0 : i32
      %dma_wait3A_179 = arith.constant 0 : i32
      %dma_wait3A_180 = tpu.memref_slice %arg8[%dma_wait3A_168, %dma_wait3A_178, %dma_wait3A_179] : memref<4x8x1024xf32, #tpu.memory_space<vmem>> -> memref<1x8x1024xf32, #tpu.memory_space<vmem>>
      %dma_wait3A_181 = tpu.memref_squeeze %dma_wait3A_180 : memref<1x8x1024xf32, #tpu.memory_space<vmem>> -> memref<8x1024xf32, #tpu.memory_space<vmem>>
      %dma_wait3A_182 = arith.constant 0 : i32
      %dma_wait3A_183 = tpu.memref_slice %arg2[%add3A_167, %dma_wait3A_182] : memref<32768x1024xf32, #tpu.memory_space<hbm>> -> memref<8x1024xf32, #tpu.memory_space<hbm>>
      tpu.wait_dma2 semaphore(%dma_wait3A_177 : memref<!tpu.dma_semaphore, #tpu.memory_space<semaphore_mem>>) src(%dma_wait3A_183 : memref<8x1024xf32, #tpu.memory_space<hbm>>) dst(%dma_wait3A_181 : memref<8x1024xf32, #tpu.memory_space<vmem>>)
      %parallel_loop3A = arith.constant 0 : i32
      %parallel_loop3A_184 = arith.constant 512 : i32
      %parallel_loop3A_185 = arith.constant 1 : i32
      scf.for %parallel_loop3A_404 = %parallel_loop3A to %parallel_loop3A_184 step %parallel_loop3A_185  : i32 {
        %parallel_loop3A_405 = arith.constant 64 : i32
        %parallel_loop3A_406 = arith.divsi %parallel_loop3A_404, %parallel_loop3A_405 : i32
        %parallel_loop3A_407 = arith.constant 0 : i32
        %parallel_loop3A_408 = arith.cmpi sgt, %parallel_loop3A_404, %parallel_loop3A_407 : i32
        %parallel_loop3A_409 = arith.extui %parallel_loop3A_408 : i1 to i32
        %parallel_loop3A_410 = arith.constant 0 : i32
        %parallel_loop3A_411 = arith.cmpi slt, %parallel_loop3A_404, %parallel_loop3A_410 : i32
        %parallel_loop3A_412 = arith.extui %parallel_loop3A_411 : i1 to i32
        %parallel_loop3A_413 = arith.subi %parallel_loop3A_409, %parallel_loop3A_412 : i32
        %parallel_loop3A_414 = arith.constant 0 : i32
        %parallel_loop3A_415 = arith.cmpi sgt, %parallel_loop3A_405, %parallel_loop3A_414 : i32
        %parallel_loop3A_416 = arith.extui %parallel_loop3A_415 : i1 to i32
        %parallel_loop3A_417 = arith.constant 0 : i32
        %parallel_loop3A_418 = arith.cmpi slt, %parallel_loop3A_405, %parallel_loop3A_417 : i32
        %parallel_loop3A_419 = arith.extui %parallel_loop3A_418 : i1 to i32
        %parallel_loop3A_420 = arith.subi %parallel_loop3A_416, %parallel_loop3A_419 : i32
        %parallel_loop3A_421 = arith.cmpi ne, %parallel_loop3A_413, %parallel_loop3A_420 : i32
        %parallel_loop3A_422 = arith.remsi %parallel_loop3A_404, %parallel_loop3A_405 : i32
        %parallel_loop3A_423 = arith.constant 0 : i32
        %parallel_loop3A_424 = arith.cmpi ne, %parallel_loop3A_422, %parallel_loop3A_423 : i32
        %parallel_loop3A_425 = arith.andi %parallel_loop3A_421, %parallel_loop3A_424 : i1
        %parallel_loop3A_426 = arith.constant 1 : i32
        %parallel_loop3A_427 = arith.subi %parallel_loop3A_406, %parallel_loop3A_426 : i32
        %parallel_loop3A_428 = arith.select %parallel_loop3A_425, %parallel_loop3A_427, %parallel_loop3A_406 : i32
        %parallel_loop3A_429 = arith.constant 64 : i32
        %parallel_loop3A_430 = arith.muli %parallel_loop3A_428, %parallel_loop3A_429 : i32
        %parallel_loop3A_431 = arith.subi %parallel_loop3A_404, %parallel_loop3A_430 : i32
        %parallel_loop3A_432 = arith.constant 16 : i32
        %parallel_loop3A_433 = arith.muli %parallel_loop3A_431, %parallel_loop3A_432 : i32
        %parallel_loop3A_434 = arith.constant 0 : i32
        %parallel_loop3A_435 = arith.index_cast %parallel_loop3A_434 : i32 to index
        %parallel_loop3A_436 = arith.index_cast %parallel_loop3A_428 : i32 to index
        %parallel_loop3A_437 = arith.index_cast %parallel_loop3A_433 : i32 to index
        %parallel_loop3A_438 = tpu.vector_load %arg7[%parallel_loop3A_435, %parallel_loop3A_436, %parallel_loop3A_437] {strides = array<i32>} : memref<4x8x1024xf32, #tpu.memory_space<vmem>>, vector<1x1x16xf32>,
        %parallel_loop3A_439 = vector.shape_cast %parallel_loop3A_438 : vector<1x1x16xf32> to vector<16xf32>
        %parallel_loop3A_440 = arith.constant 0 : i32
        %parallel_loop3A_441 = arith.index_cast %parallel_loop3A_440 : i32 to index
        %parallel_loop3A_442 = arith.index_cast %parallel_loop3A_428 : i32 to index
        %parallel_loop3A_443 = arith.index_cast %parallel_loop3A_433 : i32 to index
        %parallel_loop3A_444 = tpu.vector_load %arg8[%parallel_loop3A_441, %parallel_loop3A_442, %parallel_loop3A_443] {strides = array<i32>} : memref<4x8x1024xf32, #tpu.memory_space<vmem>>, vector<1x1x16xf32>,
        %parallel_loop3A_445 = vector.shape_cast %parallel_loop3A_444 : vector<1x1x16xf32> to vector<16xf32>
        %parallel_loop3A_446 = vector.shape_cast %parallel_loop3A_439 : vector<16xf32> to vector<1x1x16xf32>
        tpu.vector_store %arg8[%parallel_loop3A_441, %parallel_loop3A_442, %parallel_loop3A_443], %parallel_loop3A_446 {add = true, strides = array<i32>} : memref<4x8x1024xf32, #tpu.memory_space<vmem>>, vector<1x1x16xf32>,
      } {sc.loop_unroll_factor = 8 : i64, sc.parallel_access}
      %mul3A_186 = arith.constant 8 : i32
      %mul3A_187 = arith.muli %add3A_146, %mul3A_186 : i32
      %add3A_188 = arith.addi %mul3A_2, %mul3A_187 : i32
      %dma_start3A_189 = arith.constant 0 : i32
      %dma_start3A_190 = arith.constant 0 : i32
      %dma_start3A_191 = arith.constant 0 : i32
      %dma_start3A_192 = arith.constant 0 : i32
      %dma_start3A_193 = tpu.memref_slice %arg8[%dma_start3A_189, %dma_start3A_191, %dma_start3A_192] : memref<4x8x1024xf32, #tpu.memory_space<vmem>> -> memref<1x8x1024xf32, #tpu.memory_space<vmem>>
      %dma_start3A_194 = tpu.memref_squeeze %dma_start3A_193 : memref<1x8x1024xf32, #tpu.memory_space<vmem>> -> memref<8x1024xf32, #tpu.memory_space<vmem>>
      %dma_start3A_195 = arith.constant 0 : i32
      %dma_start3A_196 = tpu.memref_slice %arg5[%add3A_188, %dma_start3A_195] : memref<32768x1024xf32, #tpu.memory_space<hbm>> -> memref<8x1024xf32, #tpu.memory_space<hbm>>
      %dma_start3A_197 = tpu.memref_slice %arg11[%dma_start3A_190] : memref<4x!tpu.dma_semaphore, #tpu.memory_space<semaphore_mem>> -> memref<1x!tpu.dma_semaphore, #tpu.memory_space<semaphore_mem>>
      %dma_start3A_198 = tpu.memref_squeeze %dma_start3A_197 : memref<1x!tpu.dma_semaphore, #tpu.memory_space<semaphore_mem>> -> memref<!tpu.dma_semaphore, #tpu.memory_space<semaphore_mem>>
      %dma_start3A_199 = arith.constant 0 : i32
      %dma_start3A_200 = tpu.memref_slice %arg5[%add3A_188, %dma_start3A_199] : memref<32768x1024xf32, #tpu.memory_space<hbm>> -> memref<8x1024xf32, #tpu.memory_space<hbm>>
      %dma_start3A_201 = arith.constant 0 : i32
      %dma_start3A_202 = arith.constant 0 : i32
      %dma_start3A_203 = tpu.memref_slice %arg8[%dma_start3A_189, %dma_start3A_201, %dma_start3A_202] : memref<4x8x1024xf32, #tpu.memory_space<vmem>> -> memref<1x8x1024xf32, #tpu.memory_space<vmem>>
      %dma_start3A_204 = tpu.memref_squeeze %dma_start3A_203 : memref<1x8x1024xf32, #tpu.memory_space<vmem>> -> memref<8x1024xf32, #tpu.memory_space<vmem>>
      tpu.enqueue_dma source(%dma_start3A_204 : memref<8x1024xf32, #tpu.memory_space<vmem>>) target(%dma_start3A_200 : memref<8x1024xf32, #tpu.memory_space<hbm>>) target_semaphore(%dma_start3A_198 : memref<!tpu.dma_semaphore, #tpu.memory_space<semaphore_mem>>)
      %mul3A_205 = arith.constant 4 : i32
      %mul3A_206 = arith.muli %scan3A_141, %mul3A_205 : i32
      %add3A_207 = arith.constant 1 : i32
      %add3A_208 = arith.addi %mul3A_206, %add3A_207 : i32
      %add3A_209 = arith.constant 2 : i32
      %add3A_210 = arith.addi %add3A_208, %add3A_209 : i32
      %lt3A_211 = arith.constant 128 : i32
      %lt3A_212 = arith.cmpi slt, %add3A_210, %lt3A_211 : i32
      %convert_element_type3A_213 = arith.extui %lt3A_212 : i1 to i32
      %cond3A_214 = arith.constant 0 : i32
      %cond3A_215 = arith.cmpi ne, %convert_element_type3A_213, %cond3A_214 : i32
      scf.if %cond3A_215 {
        %ge3A = arith.constant 4 : i32
        %ge3A_404 = arith.cmpi sge, %add3A_210, %ge3A : i32
        %convert_element_type3A_405 = arith.extui %ge3A_404 : i1 to i32
        %cond3A_406 = arith.constant 0 : i32
        %cond3A_407 = arith.cmpi ne, %convert_element_type3A_405, %cond3A_406 : i32
        scf.if %cond3A_407 {
          %sub3A = arith.constant 4 : i32
          %sub3A_441 = arith.subi %add3A_210, %sub3A : i32
          %mul3A_442 = arith.constant 8 : i32
          %mul3A_443 = arith.muli %sub3A_441, %mul3A_442 : i32
          %add3A_444 = arith.addi %mul3A_2, %mul3A_443 : i32
          %dma_wait3A_445 = arith.constant 3 : i32
          %dma_wait3A_446 = arith.constant 3 : i32
          %dma_wait3A_447 = arith.constant 0 : i32
          %dma_wait3A_448 = arith.constant 0 : i32
          %dma_wait3A_449 = tpu.memref_slice %arg8[%dma_wait3A_445, %dma_wait3A_447, %dma_wait3A_448] : memref<4x8x1024xf32, #tpu.memory_space<vmem>> -> memref<1x8x1024xf32, #tpu.memory_space<vmem>>
          %dma_wait3A_450 = tpu.memref_squeeze %dma_wait3A_449 : memref<1x8x1024xf32, #tpu.memory_space<vmem>> -> memref<8x1024xf32, #tpu.memory_space<vmem>>
          %dma_wait3A_451 = arith.constant 0 : i32
          %dma_wait3A_452 = tpu.memref_slice %arg5[%add3A_444, %dma_wait3A_451] : memref<32768x1024xf32, #tpu.memory_space<hbm>> -> memref<8x1024xf32, #tpu.memory_space<hbm>>
          %dma_wait3A_453 = tpu.memref_slice %arg11[%dma_wait3A_446] : memref<4x!tpu.dma_semaphore, #tpu.memory_space<semaphore_mem>> -> memref<1x!tpu.dma_semaphore, #tpu.memory_space<semaphore_mem>>
          %dma_wait3A_454 = tpu.memref_squeeze %dma_wait3A_453 : memref<1x!tpu.dma_semaphore, #tpu.memory_space<semaphore_mem>> -> memref<!tpu.dma_semaphore, #tpu.memory_space<semaphore_mem>>
          %dma_wait3A_455 = arith.constant 0 : i32
          %dma_wait3A_456 = tpu.memref_slice %arg5[%add3A_444, %dma_wait3A_455] : memref<32768x1024xf32, #tpu.memory_space<hbm>> -> memref<8x1024xf32, #tpu.memory_space<hbm>>
          %dma_wait3A_457 = arith.constant 0 : i32
          %dma_wait3A_458 = arith.constant 0 : i32
          %dma_wait3A_459 = tpu.memref_slice %arg8[%dma_wait3A_445, %dma_wait3A_457, %dma_wait3A_458] : memref<4x8x1024xf32, #tpu.memory_space<vmem>> -> memref<1x8x1024xf32, #tpu.memory_space<vmem>>
          %dma_wait3A_460 = tpu.memref_squeeze %dma_wait3A_459 : memref<1x8x1024xf32, #tpu.memory_space<vmem>> -> memref<8x1024xf32, #tpu.memory_space<vmem>>
          tpu.wait_dma2 semaphore(%dma_wait3A_454 : memref<!tpu.dma_semaphore, #tpu.memory_space<semaphore_mem>>) src(%dma_wait3A_460 : memref<8x1024xf32, #tpu.memory_space<vmem>>) dst(%dma_wait3A_456 : memref<8x1024xf32, #tpu.memory_space<hbm>>)
        } else {
        }
        %mul3A_408 = arith.constant 8 : i32
        %mul3A_409 = arith.muli %add3A_210, %mul3A_408 : i32
        %dma_start3A_410 = arith.constant 3 : i32
        %dma_start3A_411 = arith.constant 3 : i32
        %dma_start3A_412 = arith.constant 0 : i32
        %dma_start3A_413 = arith.constant 0 : i32
        %dma_start3A_414 = tpu.memref_slice %arg7[%dma_start3A_410, %dma_start3A_412, %dma_start3A_413] : memref<4x8x1024xf32, #tpu.memory_space<vmem>> -> memref<1x8x1024xf32, #tpu.memory_space<vmem>>
        %dma_start3A_415 = tpu.memref_squeeze %dma_start3A_414 : memref<1x8x1024xf32, #tpu.memory_space<vmem>> -> memref<8x1024xf32, #tpu.memory_space<vmem>>
        %dma_start3A_416 = tpu.memref_slice %arg6[%mul3A_409] : memref<1024xi32, #tpu.memory_space<vmem>> -> memref<8xi32, #tpu.memory_space<vmem>>
        %dma_start3A_417 = arith.constant 0 : i32
        %dma_start3A_418 = arith.constant 0 : i32
        %dma_start3A_419 = tpu.memref_slice %arg4[%dma_start3A_417, %dma_start3A_418] : memref<8192x1024xf32, #tpu.memory_space<hbm>> -> memref<8192x1024xf32, #tpu.memory_space<hbm>>
        %dma_start3A_420 = tpu.memref_slice %arg9[%dma_start3A_411] : memref<4x!tpu.dma_semaphore, #tpu.memory_space<semaphore_mem>> -> memref<1x!tpu.dma_semaphore, #tpu.memory_space<semaphore_mem>>
        %dma_start3A_421 = tpu.memref_squeeze %dma_start3A_420 : memref<1x!tpu.dma_semaphore, #tpu.memory_space<semaphore_mem>> -> memref<!tpu.dma_semaphore, #tpu.memory_space<semaphore_mem>>
        tpu.enqueue_indirect_dma source(%dma_start3A_419 : memref<8192x1024xf32, #tpu.memory_space<hbm>>) target(%dma_start3A_415 : memref<8x1024xf32, #tpu.memory_space<vmem>>) offsets(%dma_start3A_416 : memref<8xi32, #tpu.memory_space<vmem>>) semaphore(%dma_start3A_421 : memref<!tpu.dma_semaphore, #tpu.memory_space<semaphore_mem>>)
        %mul3A_422 = arith.constant 8 : i32
        %mul3A_423 = arith.muli %add3A_210, %mul3A_422 : i32
        %add3A_424 = arith.addi %mul3A_2, %mul3A_423 : i32
        %dma_start3A_425 = arith.constant 3 : i32
        %dma_start3A_426 = arith.constant 3 : i32
        %dma_start3A_427 = arith.constant 0 : i32
        %dma_start3A_428 = arith.constant 0 : i32
        %dma_start3A_429 = tpu.memref_slice %arg8[%dma_start3A_425, %dma_start3A_427, %dma_start3A_428] : memref<4x8x1024xf32, #tpu.memory_space<vmem>> -> memref<1x8x1024xf32, #tpu.memory_space<vmem>>
        %dma_start3A_430 = tpu.memref_squeeze %dma_start3A_429 : memref<1x8x1024xf32, #tpu.memory_space<vmem>> -> memref<8x1024xf32, #tpu.memory_space<vmem>>
        %dma_start3A_431 = arith.constant 0 : i32
        %dma_start3A_432 = tpu.memref_slice %arg2[%add3A_424, %dma_start3A_431] : memref<32768x1024xf32, #tpu.memory_space<hbm>> -> memref<8x1024xf32, #tpu.memory_space<hbm>>
        %dma_start3A_433 = tpu.memref_slice %arg10[%dma_start3A_426] : memref<4x!tpu.dma_semaphore, #tpu.memory_space<semaphore_mem>> -> memref<1x!tpu.dma_semaphore, #tpu.memory_space<semaphore_mem>>
        %dma_start3A_434 = tpu.memref_squeeze %dma_start3A_433 : memref<1x!tpu.dma_semaphore, #tpu.memory_space<semaphore_mem>> -> memref<!tpu.dma_semaphore, #tpu.memory_space<semaphore_mem>>
        %dma_start3A_435 = arith.constant 0 : i32
        %dma_start3A_436 = arith.constant 0 : i32
        %dma_start3A_437 = tpu.memref_slice %arg8[%dma_start3A_425, %dma_start3A_435, %dma_start3A_436] : memref<4x8x1024xf32, #tpu.memory_space<vmem>> -> memref<1x8x1024xf32, #tpu.memory_space<vmem>>
        %dma_start3A_438 = tpu.memref_squeeze %dma_start3A_437 : memref<1x8x1024xf32, #tpu.memory_space<vmem>> -> memref<8x1024xf32, #tpu.memory_space<vmem>>
        %dma_start3A_439 = arith.constant 0 : i32
        %dma_start3A_440 = tpu.memref_slice %arg2[%add3A_424, %dma_start3A_439] : memref<32768x1024xf32, #tpu.memory_space<hbm>> -> memref<8x1024xf32, #tpu.memory_space<hbm>>
        tpu.enqueue_dma source(%dma_start3A_440 : memref<8x1024xf32, #tpu.memory_space<hbm>>) target(%dma_start3A_438 : memref<8x1024xf32, #tpu.memory_space<vmem>>) target_semaphore(%dma_start3A_434 : memref<!tpu.dma_semaphore, #tpu.memory_space<semaphore_mem>>)
      } else {
      }
      %mul3A_216 = arith.constant 8 : i32
      %mul3A_217 = arith.muli %add3A_208, %mul3A_216 : i32
      %dma_wait3A_218 = arith.constant 1 : i32
      %dma_wait3A_219 = arith.constant 1 : i32
      %dma_wait3A_220 = arith.constant 0 : i32
      %dma_wait3A_221 = arith.constant 0 : i32
      %dma_wait3A_222 = tpu.memref_slice %arg7[%dma_wait3A_218, %dma_wait3A_220, %dma_wait3A_221] : memref<4x8x1024xf32, #tpu.memory_space<vmem>> -> memref<1x8x1024xf32, #tpu.memory_space<vmem>>
      %dma_wait3A_223 = tpu.memref_squeeze %dma_wait3A_222 : memref<1x8x1024xf32, #tpu.memory_space<vmem>> -> memref<8x1024xf32, #tpu.memory_space<vmem>>
      %dma_wait3A_224 = tpu.memref_slice %arg6[%mul3A_217] : memref<1024xi32, #tpu.memory_space<vmem>> -> memref<8xi32, #tpu.memory_space<vmem>>
      %dma_wait3A_225 = arith.constant 0 : i32
      %dma_wait3A_226 = arith.constant 0 : i32
      %dma_wait3A_227 = tpu.memref_slice %arg4[%dma_wait3A_225, %dma_wait3A_226] : memref<8192x1024xf32, #tpu.memory_space<hbm>> -> memref<8192x1024xf32, #tpu.memory_space<hbm>>
      %dma_wait3A_228 = tpu.memref_slice %arg9[%dma_wait3A_219] : memref<4x!tpu.dma_semaphore, #tpu.memory_space<semaphore_mem>> -> memref<1x!tpu.dma_semaphore, #tpu.memory_space<semaphore_mem>>
      %dma_wait3A_229 = tpu.memref_squeeze %dma_wait3A_228 : memref<1x!tpu.dma_semaphore, #tpu.memory_space<semaphore_mem>> -> memref<!tpu.dma_semaphore, #tpu.memory_space<semaphore_mem>>
      tpu.wait_indirect_dma semaphore(%dma_wait3A_229 : memref<!tpu.dma_semaphore, #tpu.memory_space<semaphore_mem>>) src(%dma_wait3A_227 : memref<8192x1024xf32, #tpu.memory_space<hbm>>) dst(%dma_wait3A_223 : memref<8x1024xf32, #tpu.memory_space<vmem>>)
      %mul3A_230 = arith.constant 8 : i32
      %mul3A_231 = arith.muli %add3A_208, %mul3A_230 : i32
      %add3A_232 = arith.addi %mul3A_2, %mul3A_231 : i32
      %dma_wait3A_233 = arith.constant 1 : i32
      %dma_wait3A_234 = arith.constant 1 : i32
      %dma_wait3A_235 = arith.constant 0 : i32
      %dma_wait3A_236 = arith.constant 0 : i32
      %dma_wait3A_237 = tpu.memref_slice %arg8[%dma_wait3A_233, %dma_wait3A_235, %dma_wait3A_236] : memref<4x8x1024xf32, #tpu.memory_space<vmem>> -> memref<1x8x1024xf32, #tpu.memory_space<vmem>>
      %dma_wait3A_238 = tpu.memref_squeeze %dma_wait3A_237 : memref<1x8x1024xf32, #tpu.memory_space<vmem>> -> memref<8x1024xf32, #tpu.memory_space<vmem>>
      %dma_wait3A_239 = arith.constant 0 : i32
      %dma_wait3A_240 = tpu.memref_slice %arg2[%add3A_232, %dma_wait3A_239] : memref<32768x1024xf32, #tpu.memory_space<hbm>> -> memref<8x1024xf32, #tpu.memory_space<hbm>>
      %dma_wait3A_241 = tpu.memref_slice %arg10[%dma_wait3A_234] : memref<4x!tpu.dma_semaphore, #tpu.memory_space<semaphore_mem>> -> memref<1x!tpu.dma_semaphore, #tpu.memory_space<semaphore_mem>>
      %dma_wait3A_242 = tpu.memref_squeeze %dma_wait3A_241 : memref<1x!tpu.dma_semaphore, #tpu.memory_space<semaphore_mem>> -> memref<!tpu.dma_semaphore, #tpu.memory_space<semaphore_mem>>
      %dma_wait3A_243 = arith.constant 0 : i32
      %dma_wait3A_244 = arith.constant 0 : i32
      %dma_wait3A_245 = tpu.memref_slice %arg8[%dma_wait3A_233, %dma_wait3A_243, %dma_wait3A_244] : memref<4x8x1024xf32, #tpu.memory_space<vmem>> -> memref<1x8x1024xf32, #tpu.memory_space<vmem>>
      %dma_wait3A_246 = tpu.memref_squeeze %dma_wait3A_245 : memref<1x8x1024xf32, #tpu.memory_space<vmem>> -> memref<8x1024xf32, #tpu.memory_space<vmem>>
      %dma_wait3A_247 = arith.constant 0 : i32
      %dma_wait3A_248 = tpu.memref_slice %arg2[%add3A_232, %dma_wait3A_247] : memref<32768x1024xf32, #tpu.memory_space<hbm>> -> memref<8x1024xf32, #tpu.memory_space<hbm>>
      tpu.wait_dma2 semaphore(%dma_wait3A_242 : memref<!tpu.dma_semaphore, #tpu.memory_space<semaphore_mem>>) src(%dma_wait3A_248 : memref<8x1024xf32, #tpu.memory_space<hbm>>) dst(%dma_wait3A_246 : memref<8x1024xf32, #tpu.memory_space<vmem>>)
      %parallel_loop3A_249 = arith.constant 0 : i32
      %parallel_loop3A_250 = arith.constant 512 : i32
      %parallel_loop3A_251 = arith.constant 1 : i32
      scf.for %parallel_loop3A_404 = %parallel_loop3A_249 to %parallel_loop3A_250 step %parallel_loop3A_251  : i32 {
        %parallel_loop3A_405 = arith.constant 64 : i32
        %parallel_loop3A_406 = arith.divsi %parallel_loop3A_404, %parallel_loop3A_405 : i32
        %parallel_loop3A_407 = arith.constant 0 : i32
        %parallel_loop3A_408 = arith.cmpi sgt, %parallel_loop3A_404, %parallel_loop3A_407 : i32
        %parallel_loop3A_409 = arith.extui %parallel_loop3A_408 : i1 to i32
        %parallel_loop3A_410 = arith.constant 0 : i32
        %parallel_loop3A_411 = arith.cmpi slt, %parallel_loop3A_404, %parallel_loop3A_410 : i32
        %parallel_loop3A_412 = arith.extui %parallel_loop3A_411 : i1 to i32
        %parallel_loop3A_413 = arith.subi %parallel_loop3A_409, %parallel_loop3A_412 : i32
        %parallel_loop3A_414 = arith.constant 0 : i32
        %parallel_loop3A_415 = arith.cmpi sgt, %parallel_loop3A_405, %parallel_loop3A_414 : i32
        %parallel_loop3A_416 = arith.extui %parallel_loop3A_415 : i1 to i32
        %parallel_loop3A_417 = arith.constant 0 : i32
        %parallel_loop3A_418 = arith.cmpi slt, %parallel_loop3A_405, %parallel_loop3A_417 : i32
        %parallel_loop3A_419 = arith.extui %parallel_loop3A_418 : i1 to i32
        %parallel_loop3A_420 = arith.subi %parallel_loop3A_416, %parallel_loop3A_419 : i32
        %parallel_loop3A_421 = arith.cmpi ne, %parallel_loop3A_413, %parallel_loop3A_420 : i32
        %parallel_loop3A_422 = arith.remsi %parallel_loop3A_404, %parallel_loop3A_405 : i32
        %parallel_loop3A_423 = arith.constant 0 : i32
        %parallel_loop3A_424 = arith.cmpi ne, %parallel_loop3A_422, %parallel_loop3A_423 : i32
        %parallel_loop3A_425 = arith.andi %parallel_loop3A_421, %parallel_loop3A_424 : i1
        %parallel_loop3A_426 = arith.constant 1 : i32
        %parallel_loop3A_427 = arith.subi %parallel_loop3A_406, %parallel_loop3A_426 : i32
        %parallel_loop3A_428 = arith.select %parallel_loop3A_425, %parallel_loop3A_427, %parallel_loop3A_406 : i32
        %parallel_loop3A_429 = arith.constant 64 : i32
        %parallel_loop3A_430 = arith.muli %parallel_loop3A_428, %parallel_loop3A_429 : i32
        %parallel_loop3A_431 = arith.subi %parallel_loop3A_404, %parallel_loop3A_430 : i32
        %parallel_loop3A_432 = arith.constant 16 : i32
        %parallel_loop3A_433 = arith.muli %parallel_loop3A_431, %parallel_loop3A_432 : i32
        %parallel_loop3A_434 = arith.constant 1 : i32
        %parallel_loop3A_435 = arith.index_cast %parallel_loop3A_434 : i32 to index
        %parallel_loop3A_436 = arith.index_cast %parallel_loop3A_428 : i32 to index
        %parallel_loop3A_437 = arith.index_cast %parallel_loop3A_433 : i32 to index
        %parallel_loop3A_438 = tpu.vector_load %arg7[%parallel_loop3A_435, %parallel_loop3A_436, %parallel_loop3A_437] {strides = array<i32>} : memref<4x8x1024xf32, #tpu.memory_space<vmem>>, vector<1x1x16xf32>,
        %parallel_loop3A_439 = vector.shape_cast %parallel_loop3A_438 : vector<1x1x16xf32> to vector<16xf32>
        %parallel_loop3A_440 = arith.constant 1 : i32
        %parallel_loop3A_441 = arith.index_cast %parallel_loop3A_440 : i32 to index
        %parallel_loop3A_442 = arith.index_cast %parallel_loop3A_428 : i32 to index
        %parallel_loop3A_443 = arith.index_cast %parallel_loop3A_433 : i32 to index
        %parallel_loop3A_444 = tpu.vector_load %arg8[%parallel_loop3A_441, %parallel_loop3A_442, %parallel_loop3A_443] {strides = array<i32>} : memref<4x8x1024xf32, #tpu.memory_space<vmem>>, vector<1x1x16xf32>,
        %parallel_loop3A_445 = vector.shape_cast %parallel_loop3A_444 : vector<1x1x16xf32> to vector<16xf32>
        %parallel_loop3A_446 = vector.shape_cast %parallel_loop3A_439 : vector<16xf32> to vector<1x1x16xf32>
        tpu.vector_store %arg8[%parallel_loop3A_441, %parallel_loop3A_442, %parallel_loop3A_443], %parallel_loop3A_446 {add = true, strides = array<i32>} : memref<4x8x1024xf32, #tpu.memory_space<vmem>>, vector<1x1x16xf32>,
      } {sc.loop_unroll_factor = 8 : i64, sc.parallel_access}
      %mul3A_252 = arith.constant 8 : i32
      %mul3A_253 = arith.muli %add3A_208, %mul3A_252 : i32
      %add3A_254 = arith.addi %mul3A_2, %mul3A_253 : i32
      %dma_start3A_255 = arith.constant 1 : i32
      %dma_start3A_256 = arith.constant 1 : i32
      %dma_start3A_257 = arith.constant 0 : i32
      %dma_start3A_258 = arith.constant 0 : i32
      %dma_start3A_259 = tpu.memref_slice %arg8[%dma_start3A_255, %dma_start3A_257, %dma_start3A_258] : memref<4x8x1024xf32, #tpu.memory_space<vmem>> -> memref<1x8x1024xf32, #tpu.memory_space<vmem>>
      %dma_start3A_260 = tpu.memref_squeeze %dma_start3A_259 : memref<1x8x1024xf32, #tpu.memory_space<vmem>> -> memref<8x1024xf32, #tpu.memory_space<vmem>>
      %dma_start3A_261 = arith.constant 0 : i32
      %dma_start3A_262 = tpu.memref_slice %arg5[%add3A_254, %dma_start3A_261] : memref<32768x1024xf32, #tpu.memory_space<hbm>> -> memref<8x1024xf32, #tpu.memory_space<hbm>>
      %dma_start3A_263 = tpu.memref_slice %arg11[%dma_start3A_256] : memref<4x!tpu.dma_semaphore, #tpu.memory_space<semaphore_mem>> -> memref<1x!tpu.dma_semaphore, #tpu.memory_space<semaphore_mem>>
      %dma_start3A_264 = tpu.memref_squeeze %dma_start3A_263 : memref<1x!tpu.dma_semaphore, #tpu.memory_space<semaphore_mem>> -> memref<!tpu.dma_semaphore, #tpu.memory_space<semaphore_mem>>
      %dma_start3A_265 = arith.constant 0 : i32
      %dma_start3A_266 = tpu.memref_slice %arg5[%add3A_254, %dma_start3A_265] : memref<32768x1024xf32, #tpu.memory_space<hbm>> -> memref<8x1024xf32, #tpu.memory_space<hbm>>
      %dma_start3A_267 = arith.constant 0 : i32
      %dma_start3A_268 = arith.constant 0 : i32
      %dma_start3A_269 = tpu.memref_slice %arg8[%dma_start3A_255, %dma_start3A_267, %dma_start3A_268] : memref<4x8x1024xf32, #tpu.memory_space<vmem>> -> memref<1x8x1024xf32, #tpu.memory_space<vmem>>
      %dma_start3A_270 = tpu.memref_squeeze %dma_start3A_269 : memref<1x8x1024xf32, #tpu.memory_space<vmem>> -> memref<8x1024xf32, #tpu.memory_space<vmem>>
      tpu.enqueue_dma source(%dma_start3A_270 : memref<8x1024xf32, #tpu.memory_space<vmem>>) target(%dma_start3A_266 : memref<8x1024xf32, #tpu.memory_space<hbm>>) target_semaphore(%dma_start3A_264 : memref<!tpu.dma_semaphore, #tpu.memory_space<semaphore_mem>>)
      %mul3A_271 = arith.constant 4 : i32
      %mul3A_272 = arith.muli %scan3A_141, %mul3A_271 : i32
      %add3A_273 = arith.constant 2 : i32
      %add3A_274 = arith.addi %mul3A_272, %add3A_273 : i32
      %add3A_275 = arith.constant 2 : i32
      %add3A_276 = arith.addi %add3A_274, %add3A_275 : i32
      %lt3A_277 = arith.constant 128 : i32
      %lt3A_278 = arith.cmpi slt, %add3A_276, %lt3A_277 : i32
      %convert_element_type3A_279 = arith.extui %lt3A_278 : i1 to i32
      %cond3A_280 = arith.constant 0 : i32
      %cond3A_281 = arith.cmpi ne, %convert_element_type3A_279, %cond3A_280 : i32
      scf.if %cond3A_281 {
        %ge3A = arith.constant 4 : i32
        %ge3A_404 = arith.cmpi sge, %add3A_276, %ge3A : i32
        %convert_element_type3A_405 = arith.extui %ge3A_404 : i1 to i32
        %cond3A_406 = arith.constant 0 : i32
        %cond3A_407 = arith.cmpi ne, %convert_element_type3A_405, %cond3A_406 : i32
        scf.if %cond3A_407 {
          %sub3A = arith.constant 4 : i32
          %sub3A_441 = arith.subi %add3A_276, %sub3A : i32
          %mul3A_442 = arith.constant 8 : i32
          %mul3A_443 = arith.muli %sub3A_441, %mul3A_442 : i32
          %add3A_444 = arith.addi %mul3A_2, %mul3A_443 : i32
          %dma_wait3A_445 = arith.constant 0 : i32
          %dma_wait3A_446 = arith.constant 0 : i32
          %dma_wait3A_447 = arith.constant 0 : i32
          %dma_wait3A_448 = arith.constant 0 : i32
          %dma_wait3A_449 = tpu.memref_slice %arg8[%dma_wait3A_445, %dma_wait3A_447, %dma_wait3A_448] : memref<4x8x1024xf32, #tpu.memory_space<vmem>> -> memref<1x8x1024xf32, #tpu.memory_space<vmem>>
          %dma_wait3A_450 = tpu.memref_squeeze %dma_wait3A_449 : memref<1x8x1024xf32, #tpu.memory_space<vmem>> -> memref<8x1024xf32, #tpu.memory_space<vmem>>
          %dma_wait3A_451 = arith.constant 0 : i32
          %dma_wait3A_452 = tpu.memref_slice %arg5[%add3A_444, %dma_wait3A_451] : memref<32768x1024xf32, #tpu.memory_space<hbm>> -> memref<8x1024xf32, #tpu.memory_space<hbm>>
          %dma_wait3A_453 = tpu.memref_slice %arg11[%dma_wait3A_446] : memref<4x!tpu.dma_semaphore, #tpu.memory_space<semaphore_mem>> -> memref<1x!tpu.dma_semaphore, #tpu.memory_space<semaphore_mem>>
          %dma_wait3A_454 = tpu.memref_squeeze %dma_wait3A_453 : memref<1x!tpu.dma_semaphore, #tpu.memory_space<semaphore_mem>> -> memref<!tpu.dma_semaphore, #tpu.memory_space<semaphore_mem>>
          %dma_wait3A_455 = arith.constant 0 : i32
          %dma_wait3A_456 = tpu.memref_slice %arg5[%add3A_444, %dma_wait3A_455] : memref<32768x1024xf32, #tpu.memory_space<hbm>> -> memref<8x1024xf32, #tpu.memory_space<hbm>>
          %dma_wait3A_457 = arith.constant 0 : i32
          %dma_wait3A_458 = arith.constant 0 : i32
          %dma_wait3A_459 = tpu.memref_slice %arg8[%dma_wait3A_445, %dma_wait3A_457, %dma_wait3A_458] : memref<4x8x1024xf32, #tpu.memory_space<vmem>> -> memref<1x8x1024xf32, #tpu.memory_space<vmem>>
          %dma_wait3A_460 = tpu.memref_squeeze %dma_wait3A_459 : memref<1x8x1024xf32, #tpu.memory_space<vmem>> -> memref<8x1024xf32, #tpu.memory_space<vmem>>
          tpu.wait_dma2 semaphore(%dma_wait3A_454 : memref<!tpu.dma_semaphore, #tpu.memory_space<semaphore_mem>>) src(%dma_wait3A_460 : memref<8x1024xf32, #tpu.memory_space<vmem>>) dst(%dma_wait3A_456 : memref<8x1024xf32, #tpu.memory_space<hbm>>)
        } else {
        }
        %mul3A_408 = arith.constant 8 : i32
        %mul3A_409 = arith.muli %add3A_276, %mul3A_408 : i32
        %dma_start3A_410 = arith.constant 0 : i32
        %dma_start3A_411 = arith.constant 0 : i32
        %dma_start3A_412 = arith.constant 0 : i32
        %dma_start3A_413 = arith.constant 0 : i32
        %dma_start3A_414 = tpu.memref_slice %arg7[%dma_start3A_410, %dma_start3A_412, %dma_start3A_413] : memref<4x8x1024xf32, #tpu.memory_space<vmem>> -> memref<1x8x1024xf32, #tpu.memory_space<vmem>>
        %dma_start3A_415 = tpu.memref_squeeze %dma_start3A_414 : memref<1x8x1024xf32, #tpu.memory_space<vmem>> -> memref<8x1024xf32, #tpu.memory_space<vmem>>
        %dma_start3A_416 = tpu.memref_slice %arg6[%mul3A_409] : memref<1024xi32, #tpu.memory_space<vmem>> -> memref<8xi32, #tpu.memory_space<vmem>>
        %dma_start3A_417 = arith.constant 0 : i32
        %dma_start3A_418 = arith.constant 0 : i32
        %dma_start3A_419 = tpu.memref_slice %arg4[%dma_start3A_417, %dma_start3A_418] : memref<8192x1024xf32, #tpu.memory_space<hbm>> -> memref<8192x1024xf32, #tpu.memory_space<hbm>>
        %dma_start3A_420 = tpu.memref_slice %arg9[%dma_start3A_411] : memref<4x!tpu.dma_semaphore, #tpu.memory_space<semaphore_mem>> -> memref<1x!tpu.dma_semaphore, #tpu.memory_space<semaphore_mem>>
        %dma_start3A_421 = tpu.memref_squeeze %dma_start3A_420 : memref<1x!tpu.dma_semaphore, #tpu.memory_space<semaphore_mem>> -> memref<!tpu.dma_semaphore, #tpu.memory_space<semaphore_mem>>
        tpu.enqueue_indirect_dma source(%dma_start3A_419 : memref<8192x1024xf32, #tpu.memory_space<hbm>>) target(%dma_start3A_415 : memref<8x1024xf32, #tpu.memory_space<vmem>>) offsets(%dma_start3A_416 : memref<8xi32, #tpu.memory_space<vmem>>) semaphore(%dma_start3A_421 : memref<!tpu.dma_semaphore, #tpu.memory_space<semaphore_mem>>)
        %mul3A_422 = arith.constant 8 : i32
        %mul3A_423 = arith.muli %add3A_276, %mul3A_422 : i32
        %add3A_424 = arith.addi %mul3A_2, %mul3A_423 : i32
        %dma_start3A_425 = arith.constant 0 : i32
        %dma_start3A_426 = arith.constant 0 : i32
        %dma_start3A_427 = arith.constant 0 : i32
        %dma_start3A_428 = arith.constant 0 : i32
        %dma_start3A_429 = tpu.memref_slice %arg8[%dma_start3A_425, %dma_start3A_427, %dma_start3A_428] : memref<4x8x1024xf32, #tpu.memory_space<vmem>> -> memref<1x8x1024xf32, #tpu.memory_space<vmem>>
        %dma_start3A_430 = tpu.memref_squeeze %dma_start3A_429 : memref<1x8x1024xf32, #tpu.memory_space<vmem>> -> memref<8x1024xf32, #tpu.memory_space<vmem>>
        %dma_start3A_431 = arith.constant 0 : i32
        %dma_start3A_432 = tpu.memref_slice %arg2[%add3A_424, %dma_start3A_431] : memref<32768x1024xf32, #tpu.memory_space<hbm>> -> memref<8x1024xf32, #tpu.memory_space<hbm>>
        %dma_start3A_433 = tpu.memref_slice %arg10[%dma_start3A_426] : memref<4x!tpu.dma_semaphore, #tpu.memory_space<semaphore_mem>> -> memref<1x!tpu.dma_semaphore, #tpu.memory_space<semaphore_mem>>
        %dma_start3A_434 = tpu.memref_squeeze %dma_start3A_433 : memref<1x!tpu.dma_semaphore, #tpu.memory_space<semaphore_mem>> -> memref<!tpu.dma_semaphore, #tpu.memory_space<semaphore_mem>>
        %dma_start3A_435 = arith.constant 0 : i32
        %dma_start3A_436 = arith.constant 0 : i32
        %dma_start3A_437 = tpu.memref_slice %arg8[%dma_start3A_425, %dma_start3A_435, %dma_start3A_436] : memref<4x8x1024xf32, #tpu.memory_space<vmem>> -> memref<1x8x1024xf32, #tpu.memory_space<vmem>>
        %dma_start3A_438 = tpu.memref_squeeze %dma_start3A_437 : memref<1x8x1024xf32, #tpu.memory_space<vmem>> -> memref<8x1024xf32, #tpu.memory_space<vmem>>
        %dma_start3A_439 = arith.constant 0 : i32
        %dma_start3A_440 = tpu.memref_slice %arg2[%add3A_424, %dma_start3A_439] : memref<32768x1024xf32, #tpu.memory_space<hbm>> -> memref<8x1024xf32, #tpu.memory_space<hbm>>
        tpu.enqueue_dma source(%dma_start3A_440 : memref<8x1024xf32, #tpu.memory_space<hbm>>) target(%dma_start3A_438 : memref<8x1024xf32, #tpu.memory_space<vmem>>) target_semaphore(%dma_start3A_434 : memref<!tpu.dma_semaphore, #tpu.memory_space<semaphore_mem>>)
      } else {
      }
      %mul3A_282 = arith.constant 8 : i32
      %mul3A_283 = arith.muli %add3A_274, %mul3A_282 : i32
      %dma_wait3A_284 = arith.constant 2 : i32
      %dma_wait3A_285 = arith.constant 2 : i32
      %dma_wait3A_286 = arith.constant 0 : i32
      %dma_wait3A_287 = arith.constant 0 : i32
      %dma_wait3A_288 = tpu.memref_slice %arg7[%dma_wait3A_284, %dma_wait3A_286, %dma_wait3A_287] : memref<4x8x1024xf32, #tpu.memory_space<vmem>> -> memref<1x8x1024xf32, #tpu.memory_space<vmem>>
      %dma_wait3A_289 = tpu.memref_squeeze %dma_wait3A_288 : memref<1x8x1024xf32, #tpu.memory_space<vmem>> -> memref<8x1024xf32, #tpu.memory_space<vmem>>
      %dma_wait3A_290 = tpu.memref_slice %arg6[%mul3A_283] : memref<1024xi32, #tpu.memory_space<vmem>> -> memref<8xi32, #tpu.memory_space<vmem>>
      %dma_wait3A_291 = arith.constant 0 : i32
      %dma_wait3A_292 = arith.constant 0 : i32
      %dma_wait3A_293 = tpu.memref_slice %arg4[%dma_wait3A_291, %dma_wait3A_292] : memref<8192x1024xf32, #tpu.memory_space<hbm>> -> memref<8192x1024xf32, #tpu.memory_space<hbm>>
      %dma_wait3A_294 = tpu.memref_slice %arg9[%dma_wait3A_285] : memref<4x!tpu.dma_semaphore, #tpu.memory_space<semaphore_mem>> -> memref<1x!tpu.dma_semaphore, #tpu.memory_space<semaphore_mem>>
      %dma_wait3A_295 = tpu.memref_squeeze %dma_wait3A_294 : memref<1x!tpu.dma_semaphore, #tpu.memory_space<semaphore_mem>> -> memref<!tpu.dma_semaphore, #tpu.memory_space<semaphore_mem>>
      tpu.wait_indirect_dma semaphore(%dma_wait3A_295 : memref<!tpu.dma_semaphore, #tpu.memory_space<semaphore_mem>>) src(%dma_wait3A_293 : memref<8192x1024xf32, #tpu.memory_space<hbm>>) dst(%dma_wait3A_289 : memref<8x1024xf32, #tpu.memory_space<vmem>>)
      %mul3A_296 = arith.constant 8 : i32
      %mul3A_297 = arith.muli %add3A_274, %mul3A_296 : i32
      %add3A_298 = arith.addi %mul3A_2, %mul3A_297 : i32
      %dma_wait3A_299 = arith.constant 2 : i32
      %dma_wait3A_300 = arith.constant 2 : i32
      %dma_wait3A_301 = arith.constant 0 : i32
      %dma_wait3A_302 = arith.constant 0 : i32
      %dma_wait3A_303 = tpu.memref_slice %arg8[%dma_wait3A_299, %dma_wait3A_301, %dma_wait3A_302] : memref<4x8x1024xf32, #tpu.memory_space<vmem>> -> memref<1x8x1024xf32, #tpu.memory_space<vmem>>
      %dma_wait3A_304 = tpu.memref_squeeze %dma_wait3A_303 : memref<1x8x1024xf32, #tpu.memory_space<vmem>> -> memref<8x1024xf32, #tpu.memory_space<vmem>>
      %dma_wait3A_305 = arith.constant 0 : i32
      %dma_wait3A_306 = tpu.memref_slice %arg2[%add3A_298, %dma_wait3A_305] : memref<32768x1024xf32, #tpu.memory_space<hbm>> -> memref<8x1024xf32, #tpu.memory_space<hbm>>
      %dma_wait3A_307 = tpu.memref_slice %arg10[%dma_wait3A_300] : memref<4x!tpu.dma_semaphore, #tpu.memory_space<semaphore_mem>> -> memref<1x!tpu.dma_semaphore, #tpu.memory_space<semaphore_mem>>
      %dma_wait3A_308 = tpu.memref_squeeze %dma_wait3A_307 : memref<1x!tpu.dma_semaphore, #tpu.memory_space<semaphore_mem>> -> memref<!tpu.dma_semaphore, #tpu.memory_space<semaphore_mem>>
      %dma_wait3A_309 = arith.constant 0 : i32
      %dma_wait3A_310 = arith.constant 0 : i32
      %dma_wait3A_311 = tpu.memref_slice %arg8[%dma_wait3A_299, %dma_wait3A_309, %dma_wait3A_310] : memref<4x8x1024xf32, #tpu.memory_space<vmem>> -> memref<1x8x1024xf32, #tpu.memory_space<vmem>>
      %dma_wait3A_312 = tpu.memref_squeeze %dma_wait3A_311 : memref<1x8x1024xf32, #tpu.memory_space<vmem>> -> memref<8x1024xf32, #tpu.memory_space<vmem>>
      %dma_wait3A_313 = arith.constant 0 : i32
      %dma_wait3A_314 = tpu.memref_slice %arg2[%add3A_298, %dma_wait3A_313] : memref<32768x1024xf32, #tpu.memory_space<hbm>> -> memref<8x1024xf32, #tpu.memory_space<hbm>>
      tpu.wait_dma2 semaphore(%dma_wait3A_308 : memref<!tpu.dma_semaphore, #tpu.memory_space<semaphore_mem>>) src(%dma_wait3A_314 : memref<8x1024xf32, #tpu.memory_space<hbm>>) dst(%dma_wait3A_312 : memref<8x1024xf32, #tpu.memory_space<vmem>>)
      %parallel_loop3A_315 = arith.constant 0 : i32
      %parallel_loop3A_316 = arith.constant 512 : i32
      %parallel_loop3A_317 = arith.constant 1 : i32
      scf.for %parallel_loop3A_404 = %parallel_loop3A_315 to %parallel_loop3A_316 step %parallel_loop3A_317  : i32 {
        %parallel_loop3A_405 = arith.constant 64 : i32
        %parallel_loop3A_406 = arith.divsi %parallel_loop3A_404, %parallel_loop3A_405 : i32
        %parallel_loop3A_407 = arith.constant 0 : i32
        %parallel_loop3A_408 = arith.cmpi sgt, %parallel_loop3A_404, %parallel_loop3A_407 : i32
        %parallel_loop3A_409 = arith.extui %parallel_loop3A_408 : i1 to i32
        %parallel_loop3A_410 = arith.constant 0 : i32
        %parallel_loop3A_411 = arith.cmpi slt, %parallel_loop3A_404, %parallel_loop3A_410 : i32
        %parallel_loop3A_412 = arith.extui %parallel_loop3A_411 : i1 to i32
        %parallel_loop3A_413 = arith.subi %parallel_loop3A_409, %parallel_loop3A_412 : i32
        %parallel_loop3A_414 = arith.constant 0 : i32
        %parallel_loop3A_415 = arith.cmpi sgt, %parallel_loop3A_405, %parallel_loop3A_414 : i32
        %parallel_loop3A_416 = arith.extui %parallel_loop3A_415 : i1 to i32
        %parallel_loop3A_417 = arith.constant 0 : i32
        %parallel_loop3A_418 = arith.cmpi slt, %parallel_loop3A_405, %parallel_loop3A_417 : i32
        %parallel_loop3A_419 = arith.extui %parallel_loop3A_418 : i1 to i32
        %parallel_loop3A_420 = arith.subi %parallel_loop3A_416, %parallel_loop3A_419 : i32
        %parallel_loop3A_421 = arith.cmpi ne, %parallel_loop3A_413, %parallel_loop3A_420 : i32
        %parallel_loop3A_422 = arith.remsi %parallel_loop3A_404, %parallel_loop3A_405 : i32
        %parallel_loop3A_423 = arith.constant 0 : i32
        %parallel_loop3A_424 = arith.cmpi ne, %parallel_loop3A_422, %parallel_loop3A_423 : i32
        %parallel_loop3A_425 = arith.andi %parallel_loop3A_421, %parallel_loop3A_424 : i1
        %parallel_loop3A_426 = arith.constant 1 : i32
        %parallel_loop3A_427 = arith.subi %parallel_loop3A_406, %parallel_loop3A_426 : i32
        %parallel_loop3A_428 = arith.select %parallel_loop3A_425, %parallel_loop3A_427, %parallel_loop3A_406 : i32
        %parallel_loop3A_429 = arith.constant 64 : i32
        %parallel_loop3A_430 = arith.muli %parallel_loop3A_428, %parallel_loop3A_429 : i32
        %parallel_loop3A_431 = arith.subi %parallel_loop3A_404, %parallel_loop3A_430 : i32
        %parallel_loop3A_432 = arith.constant 16 : i32
        %parallel_loop3A_433 = arith.muli %parallel_loop3A_431, %parallel_loop3A_432 : i32
        %parallel_loop3A_434 = arith.constant 2 : i32
        %parallel_loop3A_435 = arith.index_cast %parallel_loop3A_434 : i32 to index
        %parallel_loop3A_436 = arith.index_cast %parallel_loop3A_428 : i32 to index
        %parallel_loop3A_437 = arith.index_cast %parallel_loop3A_433 : i32 to index
        %parallel_loop3A_438 = tpu.vector_load %arg7[%parallel_loop3A_435, %parallel_loop3A_436, %parallel_loop3A_437] {strides = array<i32>} : memref<4x8x1024xf32, #tpu.memory_space<vmem>>, vector<1x1x16xf32>,
        %parallel_loop3A_439 = vector.shape_cast %parallel_loop3A_438 : vector<1x1x16xf32> to vector<16xf32>
        %parallel_loop3A_440 = arith.constant 2 : i32
        %parallel_loop3A_441 = arith.index_cast %parallel_loop3A_440 : i32 to index
        %parallel_loop3A_442 = arith.index_cast %parallel_loop3A_428 : i32 to index
        %parallel_loop3A_443 = arith.index_cast %parallel_loop3A_433 : i32 to index
        %parallel_loop3A_444 = tpu.vector_load %arg8[%parallel_loop3A_441, %parallel_loop3A_442, %parallel_loop3A_443] {strides = array<i32>} : memref<4x8x1024xf32, #tpu.memory_space<vmem>>, vector<1x1x16xf32>,
        %parallel_loop3A_445 = vector.shape_cast %parallel_loop3A_444 : vector<1x1x16xf32> to vector<16xf32>
        %parallel_loop3A_446 = vector.shape_cast %parallel_loop3A_439 : vector<16xf32> to vector<1x1x16xf32>
        tpu.vector_store %arg8[%parallel_loop3A_441, %parallel_loop3A_442, %parallel_loop3A_443], %parallel_loop3A_446 {add = true, strides = array<i32>} : memref<4x8x1024xf32, #tpu.memory_space<vmem>>, vector<1x1x16xf32>,
      } {sc.loop_unroll_factor = 8 : i64, sc.parallel_access}
      %mul3A_318 = arith.constant 8 : i32
      %mul3A_319 = arith.muli %add3A_274, %mul3A_318 : i32
      %add3A_320 = arith.addi %mul3A_2, %mul3A_319 : i32
      %dma_start3A_321 = arith.constant 2 : i32
      %dma_start3A_322 = arith.constant 2 : i32
      %dma_start3A_323 = arith.constant 0 : i32
      %dma_start3A_324 = arith.constant 0 : i32
      %dma_start3A_325 = tpu.memref_slice %arg8[%dma_start3A_321, %dma_start3A_323, %dma_start3A_324] : memref<4x8x1024xf32, #tpu.memory_space<vmem>> -> memref<1x8x1024xf32, #tpu.memory_space<vmem>>
      %dma_start3A_326 = tpu.memref_squeeze %dma_start3A_325 : memref<1x8x1024xf32, #tpu.memory_space<vmem>> -> memref<8x1024xf32, #tpu.memory_space<vmem>>
      %dma_start3A_327 = arith.constant 0 : i32
      %dma_start3A_328 = tpu.memref_slice %arg5[%add3A_320, %dma_start3A_327] : memref<32768x1024xf32, #tpu.memory_space<hbm>> -> memref<8x1024xf32, #tpu.memory_space<hbm>>
      %dma_start3A_329 = tpu.memref_slice %arg11[%dma_start3A_322] : memref<4x!tpu.dma_semaphore, #tpu.memory_space<semaphore_mem>> -> memref<1x!tpu.dma_semaphore, #tpu.memory_space<semaphore_mem>>
      %dma_start3A_330 = tpu.memref_squeeze %dma_start3A_329 : memref<1x!tpu.dma_semaphore, #tpu.memory_space<semaphore_mem>> -> memref<!tpu.dma_semaphore, #tpu.memory_space<semaphore_mem>>
      %dma_start3A_331 = arith.constant 0 : i32
      %dma_start3A_332 = tpu.memref_slice %arg5[%add3A_320, %dma_start3A_331] : memref<32768x1024xf32, #tpu.memory_space<hbm>> -> memref<8x1024xf32, #tpu.memory_space<hbm>>
      %dma_start3A_333 = arith.constant 0 : i32
      %dma_start3A_334 = arith.constant 0 : i32
      %dma_start3A_335 = tpu.memref_slice %arg8[%dma_start3A_321, %dma_start3A_333, %dma_start3A_334] : memref<4x8x1024xf32, #tpu.memory_space<vmem>> -> memref<1x8x1024xf32, #tpu.memory_space<vmem>>
      %dma_start3A_336 = tpu.memref_squeeze %dma_start3A_335 : memref<1x8x1024xf32, #tpu.memory_space<vmem>> -> memref<8x1024xf32, #tpu.memory_space<vmem>>
      tpu.enqueue_dma source(%dma_start3A_336 : memref<8x1024xf32, #tpu.memory_space<vmem>>) target(%dma_start3A_332 : memref<8x1024xf32, #tpu.memory_space<hbm>>) target_semaphore(%dma_start3A_330 : memref<!tpu.dma_semaphore, #tpu.memory_space<semaphore_mem>>)
      %mul3A_337 = arith.constant 4 : i32
      %mul3A_338 = arith.muli %scan3A_141, %mul3A_337 : i32
      %add3A_339 = arith.constant 3 : i32
      %add3A_340 = arith.addi %mul3A_338, %add3A_339 : i32
      %add3A_341 = arith.constant 2 : i32
      %add3A_342 = arith.addi %add3A_340, %add3A_341 : i32
      %lt3A_343 = arith.constant 128 : i32
      %lt3A_344 = arith.cmpi slt, %add3A_342, %lt3A_343 : i32
      %convert_element_type3A_345 = arith.extui %lt3A_344 : i1 to i32
      %cond3A_346 = arith.constant 0 : i32
      %cond3A_347 = arith.cmpi ne, %convert_element_type3A_345, %cond3A_346 : i32
      scf.if %cond3A_347 {
        %ge3A = arith.constant 4 : i32
        %ge3A_404 = arith.cmpi sge, %add3A_342, %ge3A : i32
        %convert_element_type3A_405 = arith.extui %ge3A_404 : i1 to i32
        %cond3A_406 = arith.constant 0 : i32
        %cond3A_407 = arith.cmpi ne, %convert_element_type3A_405, %cond3A_406 : i32
        scf.if %cond3A_407 {
          %sub3A = arith.constant 4 : i32
          %sub3A_441 = arith.subi %add3A_342, %sub3A : i32
          %mul3A_442 = arith.constant 8 : i32
          %mul3A_443 = arith.muli %sub3A_441, %mul3A_442 : i32
          %add3A_444 = arith.addi %mul3A_2, %mul3A_443 : i32
          %dma_wait3A_445 = arith.constant 1 : i32
          %dma_wait3A_446 = arith.constant 1 : i32
          %dma_wait3A_447 = arith.constant 0 : i32
          %dma_wait3A_448 = arith.constant 0 : i32
          %dma_wait3A_449 = tpu.memref_slice %arg8[%dma_wait3A_445, %dma_wait3A_447, %dma_wait3A_448] : memref<4x8x1024xf32, #tpu.memory_space<vmem>> -> memref<1x8x1024xf32, #tpu.memory_space<vmem>>
          %dma_wait3A_450 = tpu.memref_squeeze %dma_wait3A_449 : memref<1x8x1024xf32, #tpu.memory_space<vmem>> -> memref<8x1024xf32, #tpu.memory_space<vmem>>
          %dma_wait3A_451 = arith.constant 0 : i32
          %dma_wait3A_452 = tpu.memref_slice %arg5[%add3A_444, %dma_wait3A_451] : memref<32768x1024xf32, #tpu.memory_space<hbm>> -> memref<8x1024xf32, #tpu.memory_space<hbm>>
          %dma_wait3A_453 = tpu.memref_slice %arg11[%dma_wait3A_446] : memref<4x!tpu.dma_semaphore, #tpu.memory_space<semaphore_mem>> -> memref<1x!tpu.dma_semaphore, #tpu.memory_space<semaphore_mem>>
          %dma_wait3A_454 = tpu.memref_squeeze %dma_wait3A_453 : memref<1x!tpu.dma_semaphore, #tpu.memory_space<semaphore_mem>> -> memref<!tpu.dma_semaphore, #tpu.memory_space<semaphore_mem>>
          %dma_wait3A_455 = arith.constant 0 : i32
          %dma_wait3A_456 = tpu.memref_slice %arg5[%add3A_444, %dma_wait3A_455] : memref<32768x1024xf32, #tpu.memory_space<hbm>> -> memref<8x1024xf32, #tpu.memory_space<hbm>>
          %dma_wait3A_457 = arith.constant 0 : i32
          %dma_wait3A_458 = arith.constant 0 : i32
          %dma_wait3A_459 = tpu.memref_slice %arg8[%dma_wait3A_445, %dma_wait3A_457, %dma_wait3A_458] : memref<4x8x1024xf32, #tpu.memory_space<vmem>> -> memref<1x8x1024xf32, #tpu.memory_space<vmem>>
          %dma_wait3A_460 = tpu.memref_squeeze %dma_wait3A_459 : memref<1x8x1024xf32, #tpu.memory_space<vmem>> -> memref<8x1024xf32, #tpu.memory_space<vmem>>
          tpu.wait_dma2 semaphore(%dma_wait3A_454 : memref<!tpu.dma_semaphore, #tpu.memory_space<semaphore_mem>>) src(%dma_wait3A_460 : memref<8x1024xf32, #tpu.memory_space<vmem>>) dst(%dma_wait3A_456 : memref<8x1024xf32, #tpu.memory_space<hbm>>)
        } else {
        }
        %mul3A_408 = arith.constant 8 : i32
        %mul3A_409 = arith.muli %add3A_342, %mul3A_408 : i32
        %dma_start3A_410 = arith.constant 1 : i32
        %dma_start3A_411 = arith.constant 1 : i32
        %dma_start3A_412 = arith.constant 0 : i32
        %dma_start3A_413 = arith.constant 0 : i32
        %dma_start3A_414 = tpu.memref_slice %arg7[%dma_start3A_410, %dma_start3A_412, %dma_start3A_413] : memref<4x8x1024xf32, #tpu.memory_space<vmem>> -> memref<1x8x1024xf32, #tpu.memory_space<vmem>>
        %dma_start3A_415 = tpu.memref_squeeze %dma_start3A_414 : memref<1x8x1024xf32, #tpu.memory_space<vmem>> -> memref<8x1024xf32, #tpu.memory_space<vmem>>
        %dma_start3A_416 = tpu.memref_slice %arg6[%mul3A_409] : memref<1024xi32, #tpu.memory_space<vmem>> -> memref<8xi32, #tpu.memory_space<vmem>>
        %dma_start3A_417 = arith.constant 0 : i32
        %dma_start3A_418 = arith.constant 0 : i32
        %dma_start3A_419 = tpu.memref_slice %arg4[%dma_start3A_417, %dma_start3A_418] : memref<8192x1024xf32, #tpu.memory_space<hbm>> -> memref<8192x1024xf32, #tpu.memory_space<hbm>>
        %dma_start3A_420 = tpu.memref_slice %arg9[%dma_start3A_411] : memref<4x!tpu.dma_semaphore, #tpu.memory_space<semaphore_mem>> -> memref<1x!tpu.dma_semaphore, #tpu.memory_space<semaphore_mem>>
        %dma_start3A_421 = tpu.memref_squeeze %dma_start3A_420 : memref<1x!tpu.dma_semaphore, #tpu.memory_space<semaphore_mem>> -> memref<!tpu.dma_semaphore, #tpu.memory_space<semaphore_mem>>
        tpu.enqueue_indirect_dma source(%dma_start3A_419 : memref<8192x1024xf32, #tpu.memory_space<hbm>>) target(%dma_start3A_415 : memref<8x1024xf32, #tpu.memory_space<vmem>>) offsets(%dma_start3A_416 : memref<8xi32, #tpu.memory_space<vmem>>) semaphore(%dma_start3A_421 : memref<!tpu.dma_semaphore, #tpu.memory_space<semaphore_mem>>)
        %mul3A_422 = arith.constant 8 : i32
        %mul3A_423 = arith.muli %add3A_342, %mul3A_422 : i32
        %add3A_424 = arith.addi %mul3A_2, %mul3A_423 : i32
        %dma_start3A_425 = arith.constant 1 : i32
        %dma_start3A_426 = arith.constant 1 : i32
        %dma_start3A_427 = arith.constant 0 : i32
        %dma_start3A_428 = arith.constant 0 : i32
        %dma_start3A_429 = tpu.memref_slice %arg8[%dma_start3A_425, %dma_start3A_427, %dma_start3A_428] : memref<4x8x1024xf32, #tpu.memory_space<vmem>> -> memref<1x8x1024xf32, #tpu.memory_space<vmem>>
        %dma_start3A_430 = tpu.memref_squeeze %dma_start3A_429 : memref<1x8x1024xf32, #tpu.memory_space<vmem>> -> memref<8x1024xf32, #tpu.memory_space<vmem>>
        %dma_start3A_431 = arith.constant 0 : i32
        %dma_start3A_432 = tpu.memref_slice %arg2[%add3A_424, %dma_start3A_431] : memref<32768x1024xf32, #tpu.memory_space<hbm>> -> memref<8x1024xf32, #tpu.memory_space<hbm>>
        %dma_start3A_433 = tpu.memref_slice %arg10[%dma_start3A_426] : memref<4x!tpu.dma_semaphore, #tpu.memory_space<semaphore_mem>> -> memref<1x!tpu.dma_semaphore, #tpu.memory_space<semaphore_mem>>
        %dma_start3A_434 = tpu.memref_squeeze %dma_start3A_433 : memref<1x!tpu.dma_semaphore, #tpu.memory_space<semaphore_mem>> -> memref<!tpu.dma_semaphore, #tpu.memory_space<semaphore_mem>>
        %dma_start3A_435 = arith.constant 0 : i32
        %dma_start3A_436 = arith.constant 0 : i32
        %dma_start3A_437 = tpu.memref_slice %arg8[%dma_start3A_425, %dma_start3A_435, %dma_start3A_436] : memref<4x8x1024xf32, #tpu.memory_space<vmem>> -> memref<1x8x1024xf32, #tpu.memory_space<vmem>>
        %dma_start3A_438 = tpu.memref_squeeze %dma_start3A_437 : memref<1x8x1024xf32, #tpu.memory_space<vmem>> -> memref<8x1024xf32, #tpu.memory_space<vmem>>
        %dma_start3A_439 = arith.constant 0 : i32
        %dma_start3A_440 = tpu.memref_slice %arg2[%add3A_424, %dma_start3A_439] : memref<32768x1024xf32, #tpu.memory_space<hbm>> -> memref<8x1024xf32, #tpu.memory_space<hbm>>
        tpu.enqueue_dma source(%dma_start3A_440 : memref<8x1024xf32, #tpu.memory_space<hbm>>) target(%dma_start3A_438 : memref<8x1024xf32, #tpu.memory_space<vmem>>) target_semaphore(%dma_start3A_434 : memref<!tpu.dma_semaphore, #tpu.memory_space<semaphore_mem>>)
      } else {
      }
      %mul3A_348 = arith.constant 8 : i32
      %mul3A_349 = arith.muli %add3A_340, %mul3A_348 : i32
      %dma_wait3A_350 = arith.constant 3 : i32
      %dma_wait3A_351 = arith.constant 3 : i32
      %dma_wait3A_352 = arith.constant 0 : i32
      %dma_wait3A_353 = arith.constant 0 : i32
      %dma_wait3A_354 = tpu.memref_slice %arg7[%dma_wait3A_350, %dma_wait3A_352, %dma_wait3A_353] : memref<4x8x1024xf32, #tpu.memory_space<vmem>> -> memref<1x8x1024xf32, #tpu.memory_space<vmem>>
      %dma_wait3A_355 = tpu.memref_squeeze %dma_wait3A_354 : memref<1x8x1024xf32, #tpu.memory_space<vmem>> -> memref<8x1024xf32, #tpu.memory_space<vmem>>
      %dma_wait3A_356 = tpu.memref_slice %arg6[%mul3A_349] : memref<1024xi32, #tpu.memory_space<vmem>> -> memref<8xi32, #tpu.memory_space<vmem>>
      %dma_wait3A_357 = arith.constant 0 : i32
      %dma_wait3A_358 = arith.constant 0 : i32
      %dma_wait3A_359 = tpu.memref_slice %arg4[%dma_wait3A_357, %dma_wait3A_358] : memref<8192x1024xf32, #tpu.memory_space<hbm>> -> memref<8192x1024xf32, #tpu.memory_space<hbm>>
      %dma_wait3A_360 = tpu.memref_slice %arg9[%dma_wait3A_351] : memref<4x!tpu.dma_semaphore, #tpu.memory_space<semaphore_mem>> -> memref<1x!tpu.dma_semaphore, #tpu.memory_space<semaphore_mem>>
      %dma_wait3A_361 = tpu.memref_squeeze %dma_wait3A_360 : memref<1x!tpu.dma_semaphore, #tpu.memory_space<semaphore_mem>> -> memref<!tpu.dma_semaphore, #tpu.memory_space<semaphore_mem>>
      tpu.wait_indirect_dma semaphore(%dma_wait3A_361 : memref<!tpu.dma_semaphore, #tpu.memory_space<semaphore_mem>>) src(%dma_wait3A_359 : memref<8192x1024xf32, #tpu.memory_space<hbm>>) dst(%dma_wait3A_355 : memref<8x1024xf32, #tpu.memory_space<vmem>>)
      %mul3A_362 = arith.constant 8 : i32
      %mul3A_363 = arith.muli %add3A_340, %mul3A_362 : i32
      %add3A_364 = arith.addi %mul3A_2, %mul3A_363 : i32
      %dma_wait3A_365 = arith.constant 3 : i32
      %dma_wait3A_366 = arith.constant 3 : i32
      %dma_wait3A_367 = arith.constant 0 : i32
      %dma_wait3A_368 = arith.constant 0 : i32
      %dma_wait3A_369 = tpu.memref_slice %arg8[%dma_wait3A_365, %dma_wait3A_367, %dma_wait3A_368] : memref<4x8x1024xf32, #tpu.memory_space<vmem>> -> memref<1x8x1024xf32, #tpu.memory_space<vmem>>
      %dma_wait3A_370 = tpu.memref_squeeze %dma_wait3A_369 : memref<1x8x1024xf32, #tpu.memory_space<vmem>> -> memref<8x1024xf32, #tpu.memory_space<vmem>>
      %dma_wait3A_371 = arith.constant 0 : i32
      %dma_wait3A_372 = tpu.memref_slice %arg2[%add3A_364, %dma_wait3A_371] : memref<32768x1024xf32, #tpu.memory_space<hbm>> -> memref<8x1024xf32, #tpu.memory_space<hbm>>
      %dma_wait3A_373 = tpu.memref_slice %arg10[%dma_wait3A_366] : memref<4x!tpu.dma_semaphore, #tpu.memory_space<semaphore_mem>> -> memref<1x!tpu.dma_semaphore, #tpu.memory_space<semaphore_mem>>
      %dma_wait3A_374 = tpu.memref_squeeze %dma_wait3A_373 : memref<1x!tpu.dma_semaphore, #tpu.memory_space<semaphore_mem>> -> memref<!tpu.dma_semaphore, #tpu.memory_space<semaphore_mem>>
      %dma_wait3A_375 = arith.constant 0 : i32
      %dma_wait3A_376 = arith.constant 0 : i32
      %dma_wait3A_377 = tpu.memref_slice %arg8[%dma_wait3A_365, %dma_wait3A_375, %dma_wait3A_376] : memref<4x8x1024xf32, #tpu.memory_space<vmem>> -> memref<1x8x1024xf32, #tpu.memory_space<vmem>>
      %dma_wait3A_378 = tpu.memref_squeeze %dma_wait3A_377 : memref<1x8x1024xf32, #tpu.memory_space<vmem>> -> memref<8x1024xf32, #tpu.memory_space<vmem>>
      %dma_wait3A_379 = arith.constant 0 : i32
      %dma_wait3A_380 = tpu.memref_slice %arg2[%add3A_364, %dma_wait3A_379] : memref<32768x1024xf32, #tpu.memory_space<hbm>> -> memref<8x1024xf32, #tpu.memory_space<hbm>>
      tpu.wait_dma2 semaphore(%dma_wait3A_374 : memref<!tpu.dma_semaphore, #tpu.memory_space<semaphore_mem>>) src(%dma_wait3A_380 : memref<8x1024xf32, #tpu.memory_space<hbm>>) dst(%dma_wait3A_378 : memref<8x1024xf32, #tpu.memory_space<vmem>>)
      %parallel_loop3A_381 = arith.constant 0 : i32
      %parallel_loop3A_382 = arith.constant 512 : i32
      %parallel_loop3A_383 = arith.constant 1 : i32
      scf.for %parallel_loop3A_404 = %parallel_loop3A_381 to %parallel_loop3A_382 step %parallel_loop3A_383  : i32 {
        %parallel_loop3A_405 = arith.constant 64 : i32
        %parallel_loop3A_406 = arith.divsi %parallel_loop3A_404, %parallel_loop3A_405 : i32
        %parallel_loop3A_407 = arith.constant 0 : i32
        %parallel_loop3A_408 = arith.cmpi sgt, %parallel_loop3A_404, %parallel_loop3A_407 : i32
        %parallel_loop3A_409 = arith.extui %parallel_loop3A_408 : i1 to i32
        %parallel_loop3A_410 = arith.constant 0 : i32
        %parallel_loop3A_411 = arith.cmpi slt, %parallel_loop3A_404, %parallel_loop3A_410 : i32
        %parallel_loop3A_412 = arith.extui %parallel_loop3A_411 : i1 to i32
        %parallel_loop3A_413 = arith.subi %parallel_loop3A_409, %parallel_loop3A_412 : i32
        %parallel_loop3A_414 = arith.constant 0 : i32
        %parallel_loop3A_415 = arith.cmpi sgt, %parallel_loop3A_405, %parallel_loop3A_414 : i32
        %parallel_loop3A_416 = arith.extui %parallel_loop3A_415 : i1 to i32
        %parallel_loop3A_417 = arith.constant 0 : i32
        %parallel_loop3A_418 = arith.cmpi slt, %parallel_loop3A_405, %parallel_loop3A_417 : i32
        %parallel_loop3A_419 = arith.extui %parallel_loop3A_418 : i1 to i32
        %parallel_loop3A_420 = arith.subi %parallel_loop3A_416, %parallel_loop3A_419 : i32
        %parallel_loop3A_421 = arith.cmpi ne, %parallel_loop3A_413, %parallel_loop3A_420 : i32
        %parallel_loop3A_422 = arith.remsi %parallel_loop3A_404, %parallel_loop3A_405 : i32
        %parallel_loop3A_423 = arith.constant 0 : i32
        %parallel_loop3A_424 = arith.cmpi ne, %parallel_loop3A_422, %parallel_loop3A_423 : i32
        %parallel_loop3A_425 = arith.andi %parallel_loop3A_421, %parallel_loop3A_424 : i1
        %parallel_loop3A_426 = arith.constant 1 : i32
        %parallel_loop3A_427 = arith.subi %parallel_loop3A_406, %parallel_loop3A_426 : i32
        %parallel_loop3A_428 = arith.select %parallel_loop3A_425, %parallel_loop3A_427, %parallel_loop3A_406 : i32
        %parallel_loop3A_429 = arith.constant 64 : i32
        %parallel_loop3A_430 = arith.muli %parallel_loop3A_428, %parallel_loop3A_429 : i32
        %parallel_loop3A_431 = arith.subi %parallel_loop3A_404, %parallel_loop3A_430 : i32
        %parallel_loop3A_432 = arith.constant 16 : i32
        %parallel_loop3A_433 = arith.muli %parallel_loop3A_431, %parallel_loop3A_432 : i32
        %parallel_loop3A_434 = arith.constant 3 : i32
        %parallel_loop3A_435 = arith.index_cast %parallel_loop3A_434 : i32 to index
        %parallel_loop3A_436 = arith.index_cast %parallel_loop3A_428 : i32 to index
        %parallel_loop3A_437 = arith.index_cast %parallel_loop3A_433 : i32 to index
        %parallel_loop3A_438 = tpu.vector_load %arg7[%parallel_loop3A_435, %parallel_loop3A_436, %parallel_loop3A_437] {strides = array<i32>} : memref<4x8x1024xf32, #tpu.memory_space<vmem>>, vector<1x1x16xf32>,
        %parallel_loop3A_439 = vector.shape_cast %parallel_loop3A_438 : vector<1x1x16xf32> to vector<16xf32>
        %parallel_loop3A_440 = arith.constant 3 : i32
        %parallel_loop3A_441 = arith.index_cast %parallel_loop3A_440 : i32 to index
        %parallel_loop3A_442 = arith.index_cast %parallel_loop3A_428 : i32 to index
        %parallel_loop3A_443 = arith.index_cast %parallel_loop3A_433 : i32 to index
        %parallel_loop3A_444 = tpu.vector_load %arg8[%parallel_loop3A_441, %parallel_loop3A_442, %parallel_loop3A_443] {strides = array<i32>} : memref<4x8x1024xf32, #tpu.memory_space<vmem>>, vector<1x1x16xf32>,
        %parallel_loop3A_445 = vector.shape_cast %parallel_loop3A_444 : vector<1x1x16xf32> to vector<16xf32>
        %parallel_loop3A_446 = vector.shape_cast %parallel_loop3A_439 : vector<16xf32> to vector<1x1x16xf32>
        tpu.vector_store %arg8[%parallel_loop3A_441, %parallel_loop3A_442, %parallel_loop3A_443], %parallel_loop3A_446 {add = true, strides = array<i32>} : memref<4x8x1024xf32, #tpu.memory_space<vmem>>, vector<1x1x16xf32>,
      } {sc.loop_unroll_factor = 8 : i64, sc.parallel_access}
      %mul3A_384 = arith.constant 8 : i32
      %mul3A_385 = arith.muli %add3A_340, %mul3A_384 : i32
      %add3A_386 = arith.addi %mul3A_2, %mul3A_385 : i32
      %dma_start3A_387 = arith.constant 3 : i32
      %dma_start3A_388 = arith.constant 3 : i32
      %dma_start3A_389 = arith.constant 0 : i32
      %dma_start3A_390 = arith.constant 0 : i32
      %dma_start3A_391 = tpu.memref_slice %arg8[%dma_start3A_387, %dma_start3A_389, %dma_start3A_390] : memref<4x8x1024xf32, #tpu.memory_space<vmem>> -> memref<1x8x1024xf32, #tpu.memory_space<vmem>>
      %dma_start3A_392 = tpu.memref_squeeze %dma_start3A_391 : memref<1x8x1024xf32, #tpu.memory_space<vmem>> -> memref<8x1024xf32, #tpu.memory_space<vmem>>
      %dma_start3A_393 = arith.constant 0 : i32
      %dma_start3A_394 = tpu.memref_slice %arg5[%add3A_386, %dma_start3A_393] : memref<32768x1024xf32, #tpu.memory_space<hbm>> -> memref<8x1024xf32, #tpu.memory_space<hbm>>
      %dma_start3A_395 = tpu.memref_slice %arg11[%dma_start3A_388] : memref<4x!tpu.dma_semaphore, #tpu.memory_space<semaphore_mem>> -> memref<1x!tpu.dma_semaphore, #tpu.memory_space<semaphore_mem>>
      %dma_start3A_396 = tpu.memref_squeeze %dma_start3A_395 : memref<1x!tpu.dma_semaphore, #tpu.memory_space<semaphore_mem>> -> memref<!tpu.dma_semaphore, #tpu.memory_space<semaphore_mem>>
      %dma_start3A_397 = arith.constant 0 : i32
      %dma_start3A_398 = tpu.memref_slice %arg5[%add3A_386, %dma_start3A_397] : memref<32768x1024xf32, #tpu.memory_space<hbm>> -> memref<8x1024xf32, #tpu.memory_space<hbm>>
      %dma_start3A_399 = arith.constant 0 : i32
      %dma_start3A_400 = arith.constant 0 : i32
      %dma_start3A_401 = tpu.memref_slice %arg8[%dma_start3A_387, %dma_start3A_399, %dma_start3A_400] : memref<4x8x1024xf32, #tpu.memory_space<vmem>> -> memref<1x8x1024xf32, #tpu.memory_space<vmem>>
      %dma_start3A_402 = tpu.memref_squeeze %dma_start3A_401 : memref<1x8x1024xf32, #tpu.memory_space<vmem>> -> memref<8x1024xf32, #tpu.memory_space<vmem>>
      tpu.enqueue_dma source(%dma_start3A_402 : memref<8x1024xf32, #tpu.memory_space<vmem>>) target(%dma_start3A_398 : memref<8x1024xf32, #tpu.memory_space<hbm>>) target_semaphore(%dma_start3A_396 : memref<!tpu.dma_semaphore, #tpu.memory_space<semaphore_mem>>)
      %scan3A_403 = arith.constant 0 : i32
      scf.yield %scan3A_403 : i32
    }
    %scan3A_69 = arith.constant 32 : i32
    %add3A_70 = arith.constant 992 : i32
    %add3A_71 = arith.addi %mul3A_2, %add3A_70 : i32
    %dma_wait3A = arith.constant 0 : i32
    %dma_wait3A_72 = arith.constant 0 : i32
    %dma_wait3A_73 = arith.constant 0 : i32
    %dma_wait3A_74 = arith.constant 0 : i32
    %dma_wait3A_75 = tpu.memref_slice %arg8[%dma_wait3A, %dma_wait3A_73, %dma_wait3A_74] : memref<4x8x1024xf32, #tpu.memory_space<vmem>> -> memref<1x8x1024xf32, #tpu.memory_space<vmem>>
    %dma_wait3A_76 = tpu.memref_squeeze %dma_wait3A_75 : memref<1x8x1024xf32, #tpu.memory_space<vmem>> -> memref<8x1024xf32, #tpu.memory_space<vmem>>
    %dma_wait3A_77 = arith.constant 0 : i32
    %dma_wait3A_78 = tpu.memref_slice %arg5[%add3A_71, %dma_wait3A_77] : memref<32768x1024xf32, #tpu.memory_space<hbm>> -> memref<8x1024xf32, #tpu.memory_space<hbm>>
    %dma_wait3A_79 = tpu.memref_slice %arg11[%dma_wait3A_72] : memref<4x!tpu.dma_semaphore, #tpu.memory_space<semaphore_mem>> -> memref<1x!tpu.dma_semaphore, #tpu.memory_space<semaphore_mem>>
    %dma_wait3A_80 = tpu.memref_squeeze %dma_wait3A_79 : memref<1x!tpu.dma_semaphore, #tpu.memory_space<semaphore_mem>> -> memref<!tpu.dma_semaphore, #tpu.memory_space<semaphore_mem>>
    %dma_wait3A_81 = arith.constant 0 : i32
    %dma_wait3A_82 = tpu.memref_slice %arg5[%add3A_71, %dma_wait3A_81] : memref<32768x1024xf32, #tpu.memory_space<hbm>> -> memref<8x1024xf32, #tpu.memory_space<hbm>>
    %dma_wait3A_83 = arith.constant 0 : i32
    %dma_wait3A_84 = arith.constant 0 : i32
    %dma_wait3A_85 = tpu.memref_slice %arg8[%dma_wait3A, %dma_wait3A_83, %dma_wait3A_84] : memref<4x8x1024xf32, #tpu.memory_space<vmem>> -> memref<1x8x1024xf32, #tpu.memory_space<vmem>>
    %dma_wait3A_86 = tpu.memref_squeeze %dma_wait3A_85 : memref<1x8x1024xf32, #tpu.memory_space<vmem>> -> memref<8x1024xf32, #tpu.memory_space<vmem>>
    tpu.wait_dma2 semaphore(%dma_wait3A_80 : memref<!tpu.dma_semaphore, #tpu.memory_space<semaphore_mem>>) src(%dma_wait3A_86 : memref<8x1024xf32, #tpu.memory_space<vmem>>) dst(%dma_wait3A_82 : memref<8x1024xf32, #tpu.memory_space<hbm>>)
    %add3A_87 = arith.constant 1000 : i32
    %add3A_88 = arith.addi %mul3A_2, %add3A_87 : i32
    %dma_wait3A_89 = arith.constant 1 : i32
    %dma_wait3A_90 = arith.constant 1 : i32
    %dma_wait3A_91 = arith.constant 0 : i32
    %dma_wait3A_92 = arith.constant 0 : i32
    %dma_wait3A_93 = tpu.memref_slice %arg8[%dma_wait3A_89, %dma_wait3A_91, %dma_wait3A_92] : memref<4x8x1024xf32, #tpu.memory_space<vmem>> -> memref<1x8x1024xf32, #tpu.memory_space<vmem>>
    %dma_wait3A_94 = tpu.memref_squeeze %dma_wait3A_93 : memref<1x8x1024xf32, #tpu.memory_space<vmem>> -> memref<8x1024xf32, #tpu.memory_space<vmem>>
    %dma_wait3A_95 = arith.constant 0 : i32
    %dma_wait3A_96 = tpu.memref_slice %arg5[%add3A_88, %dma_wait3A_95] : memref<32768x1024xf32, #tpu.memory_space<hbm>> -> memref<8x1024xf32, #tpu.memory_space<hbm>>
    %dma_wait3A_97 = tpu.memref_slice %arg11[%dma_wait3A_90] : memref<4x!tpu.dma_semaphore, #tpu.memory_space<semaphore_mem>> -> memref<1x!tpu.dma_semaphore, #tpu.memory_space<semaphore_mem>>
    %dma_wait3A_98 = tpu.memref_squeeze %dma_wait3A_97 : memref<1x!tpu.dma_semaphore, #tpu.memory_space<semaphore_mem>> -> memref<!tpu.dma_semaphore, #tpu.memory_space<semaphore_mem>>
    %dma_wait3A_99 = arith.constant 0 : i32
    %dma_wait3A_100 = tpu.memref_slice %arg5[%add3A_88, %dma_wait3A_99] : memref<32768x1024xf32, #tpu.memory_space<hbm>> -> memref<8x1024xf32, #tpu.memory_space<hbm>>
    %dma_wait3A_101 = arith.constant 0 : i32
    %dma_wait3A_102 = arith.constant 0 : i32
    %dma_wait3A_103 = tpu.memref_slice %arg8[%dma_wait3A_89, %dma_wait3A_101, %dma_wait3A_102] : memref<4x8x1024xf32, #tpu.memory_space<vmem>> -> memref<1x8x1024xf32, #tpu.memory_space<vmem>>
    %dma_wait3A_104 = tpu.memref_squeeze %dma_wait3A_103 : memref<1x8x1024xf32, #tpu.memory_space<vmem>> -> memref<8x1024xf32, #tpu.memory_space<vmem>>
    tpu.wait_dma2 semaphore(%dma_wait3A_98 : memref<!tpu.dma_semaphore, #tpu.memory_space<semaphore_mem>>) src(%dma_wait3A_104 : memref<8x1024xf32, #tpu.memory_space<vmem>>) dst(%dma_wait3A_100 : memref<8x1024xf32, #tpu.memory_space<hbm>>)
    %add3A_105 = arith.constant 1008 : i32
    %add3A_106 = arith.addi %mul3A_2, %add3A_105 : i32
    %dma_wait3A_107 = arith.constant 2 : i32
    %dma_wait3A_108 = arith.constant 2 : i32
    %dma_wait3A_109 = arith.constant 0 : i32
    %dma_wait3A_110 = arith.constant 0 : i32
    %dma_wait3A_111 = tpu.memref_slice %arg8[%dma_wait3A_107, %dma_wait3A_109, %dma_wait3A_110] : memref<4x8x1024xf32, #tpu.memory_space<vmem>> -> memref<1x8x1024xf32, #tpu.memory_space<vmem>>
    %dma_wait3A_112 = tpu.memref_squeeze %dma_wait3A_111 : memref<1x8x1024xf32, #tpu.memory_space<vmem>> -> memref<8x1024xf32, #tpu.memory_space<vmem>>
    %dma_wait3A_113 = arith.constant 0 : i32
    %dma_wait3A_114 = tpu.memref_slice %arg5[%add3A_106, %dma_wait3A_113] : memref<32768x1024xf32, #tpu.memory_space<hbm>> -> memref<8x1024xf32, #tpu.memory_space<hbm>>
    %dma_wait3A_115 = tpu.memref_slice %arg11[%dma_wait3A_108] : memref<4x!tpu.dma_semaphore, #tpu.memory_space<semaphore_mem>> -> memref<1x!tpu.dma_semaphore, #tpu.memory_space<semaphore_mem>>
    %dma_wait3A_116 = tpu.memref_squeeze %dma_wait3A_115 : memref<1x!tpu.dma_semaphore, #tpu.memory_space<semaphore_mem>> -> memref<!tpu.dma_semaphore, #tpu.memory_space<semaphore_mem>>
    %dma_wait3A_117 = arith.constant 0 : i32
    %dma_wait3A_118 = tpu.memref_slice %arg5[%add3A_106, %dma_wait3A_117] : memref<32768x1024xf32, #tpu.memory_space<hbm>> -> memref<8x1024xf32, #tpu.memory_space<hbm>>
    %dma_wait3A_119 = arith.constant 0 : i32
    %dma_wait3A_120 = arith.constant 0 : i32
    %dma_wait3A_121 = tpu.memref_slice %arg8[%dma_wait3A_107, %dma_wait3A_119, %dma_wait3A_120] : memref<4x8x1024xf32, #tpu.memory_space<vmem>> -> memref<1x8x1024xf32, #tpu.memory_space<vmem>>
    %dma_wait3A_122 = tpu.memref_squeeze %dma_wait3A_121 : memref<1x8x1024xf32, #tpu.memory_space<vmem>> -> memref<8x1024xf32, #tpu.memory_space<vmem>>
    tpu.wait_dma2 semaphore(%dma_wait3A_116 : memref<!tpu.dma_semaphore, #tpu.memory_space<semaphore_mem>>) src(%dma_wait3A_122 : memref<8x1024xf32, #tpu.memory_space<vmem>>) dst(%dma_wait3A_118 : memref<8x1024xf32, #tpu.memory_space<hbm>>)
    %add3A_123 = arith.constant 1016 : i32
    %add3A_124 = arith.addi %mul3A_2, %add3A_123 : i32
    %dma_wait3A_125 = arith.constant 3 : i32
    %dma_wait3A_126 = arith.constant 3 : i32
    %dma_wait3A_127 = arith.constant 0 : i32
    %dma_wait3A_128 = arith.constant 0 : i32
    %dma_wait3A_129 = tpu.memref_slice %arg8[%dma_wait3A_125, %dma_wait3A_127, %dma_wait3A_128] : memref<4x8x1024xf32, #tpu.memory_space<vmem>> -> memref<1x8x1024xf32, #tpu.memory_space<vmem>>
    %dma_wait3A_130 = tpu.memref_squeeze %dma_wait3A_129 : memref<1x8x1024xf32, #tpu.memory_space<vmem>> -> memref<8x1024xf32, #tpu.memory_space<vmem>>
    %dma_wait3A_131 = arith.constant 0 : i32
    %dma_wait3A_132 = tpu.memref_slice %arg5[%add3A_124, %dma_wait3A_131] : memref<32768x1024xf32, #tpu.memory_space<hbm>> -> memref<8x1024xf32, #tpu.memory_space<hbm>>
    %dma_wait3A_133 = tpu.memref_slice %arg11[%dma_wait3A_126] : memref<4x!tpu.dma_semaphore, #tpu.memory_space<semaphore_mem>> -> memref<1x!tpu.dma_semaphore, #tpu.memory_space<semaphore_mem>>
    %dma_wait3A_134 = tpu.memref_squeeze %dma_wait3A_133 : memref<1x!tpu.dma_semaphore, #tpu.memory_space<semaphore_mem>> -> memref<!tpu.dma_semaphore, #tpu.memory_space<semaphore_mem>>
    %dma_wait3A_135 = arith.constant 0 : i32
    %dma_wait3A_136 = tpu.memref_slice %arg5[%add3A_124, %dma_wait3A_135] : memref<32768x1024xf32, #tpu.memory_space<hbm>> -> memref<8x1024xf32, #tpu.memory_space<hbm>>
    %dma_wait3A_137 = arith.constant 0 : i32
    %dma_wait3A_138 = arith.constant 0 : i32
    %dma_wait3A_139 = tpu.memref_slice %arg8[%dma_wait3A_125, %dma_wait3A_137, %dma_wait3A_138] : memref<4x8x1024xf32, #tpu.memory_space<vmem>> -> memref<1x8x1024xf32, #tpu.memory_space<vmem>>
    %dma_wait3A_140 = tpu.memref_squeeze %dma_wait3A_139 : memref<1x8x1024xf32, #tpu.memory_space<vmem>> -> memref<8x1024xf32, #tpu.memory_space<vmem>>
    tpu.wait_dma2 semaphore(%dma_wait3A_134 : memref<!tpu.dma_semaphore, #tpu.memory_space<semaphore_mem>>) src(%dma_wait3A_140 : memref<8x1024xf32, #tpu.memory_space<vmem>>) dst(%dma_wait3A_136 : memref<8x1024xf32, #tpu.memory_space<hbm>>)
    return
  }
}

</mosaic_0001>

<sc_bundles>
// kernel: _pe_add.3.cloned.1.call-start
scs
__scs_entry_jumppad:
0x0: {  	(pc) =	sbr.rel $0x88, $3  }
0x1: {  	(tag) =	ssettag $0x0;
	lr =	simm.s32 $0x1  }
0x2: {  	[smem:$0x3F9E] =	sst lr;
	_ =	strace $0xD0000000  }
0x3: {  	_ = 	snop  }
0x4: {  	_ = 	snop  }
0x5: {  	_ = 	snop  }
0x6: {  	_ = 	snop  }
0x7: {  	_ = 	snop  }
__scs_overlays_trampoline_lowered:
0x8: {  	[smem:$0x3FAD] =	sst s0  }
0x9: {  	[smem:$0x3FAE] =	sst s1  }
0xa: {  	[smem:$0x3FAF] =	sst s2  }
0xb: {  	[smem:$0x3FB0] =	sst s3  }
0xc: {  	[smem:$0x3FB1] =	sst s4  }
0xd: {  	[smem:$0x3FB2] =	sst s5  }
0xe: {  	[smem:$0x3FB3] =	sst s6  }
0xf: {  	[smem:$0x3FB4] =	sst s7  }
0x10: {  	[smem:$0x3FB5] =	sst s8  }
0x11: {  	[smem:$0x3FB6] =	sst s9;
	s0 =	simm.s32 @!p0 $0x0  }
0x12: {  	s1 =	sld [smem:$0x3F9C];
	s0 =	simm.s32 @p0 $0x1  }
0x13: {  	[smem:$0x3FB7] =	sst s0;
	s0 =	simm.s32 @!p1 $0x0  }
0x14: {  	s2 =	sld [smem:$0x3F9B];
	s0 =	simm.s32 @p1 $0x1  }
0x15: {  	[smem:$0x3FB8] =	sst s0;
	s0 =	simm.s32 @!p2 $0x0  }
0x16: {  	s3 =	sld [smem:$0x3FDB];
	s0 =	simm.s32 @p2 $0x1  }
0x17: {  	s4 =	simm.s32 $0x1BF5;
	[smem:$0x3FBA] =	sst s0  }
0x18: {  	s0 =	sld [smem:$0x3F9D];
	_ =	swait.ge [sflag:s4], $0x0  }
0x19: {  	s7 =	sld [smem:$0x3F9E]  }
0x1a: {  	s8 =	sadd.s32 $0xFFFFE003, lr  }
0x1b: {  	s9 =	sadd.s32 $0xFFFFFEF7, lr;
	s5 =	simm.s32 $0xFFFFFFFF;
	p2 =	slt.u32 s8, $0xFFFFF086  }
0x1c: {  	p1 =	slt.u32 s9, $0xF7A;
	s5 =	simm.s32 @!p2 $0x0  }
0x1d: {  	s5 =	simm.s32 @p1 $0x1;
	p0 =	seq.s32 s7, s2  }
0x1e: {  	s7 =	smul.u32 @!p0 $0xF7A, s2;
	p2 =	seq.s32 @!p0 s5, $0x0  }
0x1f: {  	s9 =	smul.u32 $0xF7A, s1;
	s8 =	simm.s32 @!p0 $0x1BF5;
	p2 =	por !p2, p0  }
0x20: {  	[sflag:s8] =	ssyncset.s32 @!p0 $0xFFFFF086;
	s6 =	sadd.s32 @!p0 s3, s7;
	s7 =	simm.s32 @!p0 $0x108  }
0x21: {  	s3 =	sadd.s32 s3, s9;
	s6 =	sadd.s32 @!p0 $0x88, s6;
	s7 =	simm.s32 @p2 $0x1082  }
0x22: {  	[simem:s7], [sflag:s8] =	dma.local @!p0 [hbm:s6], $0xF7A  }
0x23: {  	s9 =	sor.u32 $0xD0000000, s2;
	s6 =	simm.s32 $0x108;
	_ =	swait.ge @!p0 [sflag:s8], $0x0  }
0x24: {  	s3 =	sadd.s32 $0x88, s3;
	s6 =	simm.s32 @!p1 $0x1082;
	[sflag:s4] =	ssyncset.s32 $0xFFFFF086  }
0x25: {  	[simem:s6], [sflag:s4] =	dma.local [hbm:s3], $0xF7A  }
0x26: {  	[smem:$0x3F9E] =	sst s1;
	(tag) =	ssettag s2;
	_ =	strace s9  }
0x27: {  	s1 =	sld [smem:$0x3FAE]  }
0x28: {  	s2 =	sld [smem:$0x3FAF]  }
0x29: {  	s4 =	sld [smem:$0x3FB1]  }
0x2a: {  	p0 =	seq.s32 s5, $0x0;
	s5 =	sld [smem:$0x3FB2]  }
0x2b: {  	s6 =	sld [smem:$0x3FB3]  }
0x2c: {  	s7 =	sld [smem:$0x3FB4]  }
0x2d: {  	s3 =	simm.s32 $0x108;
	s8 =	sld [smem:$0x3FB5]  }
0x2e: {  	s3 =	simm.s32 @!p0 $0x1082;
	s9 =	sld [smem:$0x3FB6]  }
0x2f: {  	lr =	sadd.s32 s0, s3;
	s0 =	sld [smem:$0x3FAD]  }
0x30: {  	s3 =	sld [smem:$0x3FB0]  }
0x31: {  	[smem:$0x3FB9] =	sst s10  }
0x32: {  	s10 =	sld [smem:$0x3FB7];
	_ =	sdelay $0x3  }
0x33: {  	p0 =	seq.s32 s10, $0x1;
	s10 =	sld [smem:$0x3FB9];
	_ =	sdelay $0x3  }
0x34: {  	[smem:$0x3FB9] =	sst s10  }
0x35: {  	s10 =	sld [smem:$0x3FB8];
	_ =	sdelay $0x3  }
0x36: {  	p1 =	seq.s32 s10, $0x1;
	s10 =	sld [smem:$0x3FB9];
	_ =	sdelay $0x3  }
0x37: {  	[smem:$0x3FB9] =	sst s10  }
0x38: {  	s10 =	sld [smem:$0x3FBA]  }
0x39: {  	_ = 	snop;
	(pc) =	sbr.ind lr, $3  }
0x3a: {  	_ = 	snop  }
0x3b: {  	_ = 	snop  }
0x3c: {  	p2 =	seq.s32 s10, $0x1;
	s10 =	sld [smem:$0x3FB9]  }
0x3d: {  	_ =	shalt  }
0x3e: {  	_ =	shalt  }
0x3f: {  	_ =	shalt  }
0x40: {  	_ =	shalt  }
0x41: {  	_ =	shalt  }
0x42: {  	_ =	shalt  }
0x43: {  	_ =	shalt  }
0x44: {  	_ =	shalt  }
0x45: {  	_ =	shalt  }
0x46: {  	_ =	shalt  }
0x47: {  	_ =	shalt  }
0x48: {  	_ =	shalt  }
0x49: {  	_ =	shalt  }
0x4a: {  	_ =	shalt  }
0x4b: {  	_ =	shalt  }
0x4c: {  	_ =	shalt  }
0x4d: {  	_ =	shalt  }
0x4e: {  	_ =	shalt  }
0x4f: {  	_ =	shalt  }
0x50: {  	_ =	shalt  }
0x51: {  	_ =	shalt  }
0x52: {  	_ =	shalt  }
0x53: {  	_ =	shalt  }
0x54: {  	_ =	shalt  }
0x55: {  	_ =	shalt  }
0x56: {  	_ =	shalt  }
0x57: {  	_ =	shalt  }
0x58: {  	_ =	shalt  }
0x59: {  	_ =	shalt  }
0x5a: {  	_ =	shalt  }
0x5b: {  	_ =	shalt  }
0x5c: {  	_ =	shalt  }
0x5d: {  	_ =	shalt  }
0x5e: {  	_ =	shalt  }
0x5f: {  	_ =	shalt  }
0x60: {  	_ =	shalt  }
0x61: {  	_ =	shalt  }
0x62: {  	_ =	shalt  }
0x63: {  	_ =	shalt  }
0x64: {  	_ =	shalt  }
0x65: {  	_ =	shalt  }
0x66: {  	_ =	shalt  }
0x67: {  	_ =	shalt  }
0x68: {  	_ =	shalt  }
0x69: {  	_ =	shalt  }
0x6a: {  	_ =	shalt  }
0x6b: {  	_ =	shalt  }
0x6c: {  	_ =	shalt  }
0x6d: {  	_ =	shalt  }
0x6e: {  	_ =	shalt  }
0x6f: {  	_ =	shalt  }
0x70: {  	_ =	shalt  }
0x71: {  	_ =	shalt  }
0x72: {  	_ =	shalt  }
0x73: {  	_ =	shalt  }
0x74: {  	_ =	shalt  }
0x75: {  	_ =	shalt  }
0x76: {  	_ =	shalt  }
0x77: {  	_ =	shalt  }
0x78: {  	_ =	shalt  }
0x79: {  	_ =	shalt  }
0x7a: {  	_ =	shalt  }
0x7b: {  	_ =	shalt  }
0x7c: {  	_ =	shalt  }
0x7d: {  	_ =	shalt  }
0x7e: {  	_ =	shalt  }
0x7f: {  	_ =	shalt  }
0x80: {  	_ =	shalt  }
0x81: {  	_ =	shalt  }
0x82: {  	_ =	shalt  }
0x83: {  	_ =	shalt  }
0x84: {  	_ =	shalt  }
0x85: {  	_ =	shalt  }
0x86: {  	_ =	shalt  }
0x87: {  	_ =	shalt  }
.Lfunc_end0:
.L_simem_size_0:
called_computation_lowered:
.L_overlay_start_0:
0x88: {  	s2 =	sld [smem:$0x3FD9]  }
0x89: {  	s3 =	sld [smem:$0x3FFE];
	_ =	sdelay $0x1  }
0x8a: {  	s1 =	srdreg.scid  }
0x8b: {  	s0 =	sand.u32 $0x1, s1  }
0x8c: {  	s18 =	sshll.u32 s0, $0xA;
	s2 =	sadd.s32 s3, s2  }
0x8d: {  	s2 =	sadd.s32 s2, s18  }
0x8e: {  	[smem:$0x3FC5] =	sst s2  }
0x8f: {  	_ = 	snop  }
0x90: {  	s2 =	sld [smem:$0x3FC9]  }
0x91: {  	s19 =	sld [smem:$0x3FC8]  }
0x92: {  	s4 =	sld [smem:$0x3FC7]  }
0x93: {  	s5 =	sld [smem:$0x3FD0];
	(tm) =	ssettm $0x1  }
0x94: {  	s6 =	sld [smem:$0x3FFB];
	_ =	sdelay $0x3  }
0x95: {  	_ =	strace s6  }
0x96: {  	s6 =	sld [smem:$0x3FFC];
	_ =	sdelay $0x3  }
0x97: {  	_ =	strace s6  }
0x98: {  	s6 =	sld [smem:$0x3FFD];
	_ =	sdelay $0x3  }
0x99: {  	_ =	strace s6  }
0x9a: {  	_ =	strace $0x8FFFFFFF  }
0x9b: {  	s20 =	sld [smem:$0x3FDB];
	_ =	sdelay $0x1  }
0x9c: {  	s7 =	simm.s32 $_scs_section_size  }
0x9d: {  	s8 =	simm.s32 $_size__tile_overlayer_lowered;
	s9 =	simm.s32 $_tile_overlayer_lowered  }
0x9e: {  	s23 =	simm.s32 $0x1BFF;
	s22 =	sshll.u32 s9, $0x1;
	s6 =	sadd.s32 s7, s20  }
0x9f: {  	s10 =	simm.s32 $0x0;
	s21 =	sshll.u32 s8, $0x1;
	s8 =	sadd.s32 s22, s6  }
0xa0: {  	[timem:s10], [sflag:s23] =	dma.local [hbm:s8], s21  }
0xa1: {  	_ =	swait.ge [sflag:s23], s21  }
0xa2: {  	s7 =	ssub.s32 $0x0, s21;
	[sflag:s23] =	ssyncset.done $0x0  }
0xa3: {  	[sflag:s23] =	ssyncadd.s32 s7;
	_ =	sdelay $0x1  }
0xa4: {  	s24 =	simm.s32 $0x1B8B  }
0xa5: {  	_ =	swait.ge [sflag:s24], $0x1  }
0xa6: {  	[sflag:s24] =	ssyncset.done $0x0  }
0xa7: {  	s25 =	simm.s32 $0x1B8E;
	[sflag:s24] =	ssyncadd.s32 $0xFFFFFFFF  }
0xa8: {  	s26 =	simm.s32 $execute0_lowered;
	[smem:$0x3FD2] =	sst s25  }
0xa9: {  	s7 =	sshll.u32 s26, $0x1;
	_ =	strace $0x80000046;
	[dreg:$0x1] =	wrdreg $0xFFFFFFFF  }
0xaa: {  	s28 =	simm.s32 $_size_execute0_lowered;
	s6 =	sadd.s32 s6, s7;
	[dreg:$0x0] =	wrdreg $0x0  }
0xab: {  	s7 =	sshll.u32 s28, $0x1;
	[dreg:$0x2] =	wrdreg s6  }
0xac: {  	[dreg:$0x3] =	wrdreg s7  }
0xad: {  	[dreg:$0x4] =	wrdreg $0xC0  }
0xae: {  	_ =	task [dreg:s10], $0x5FFFF  }
0xaf: {  	[dreg:$0x1] =	wrdreg $0xFFFFFFFF  }
0xb0: {  	[dreg:$0x0] =	wrdreg $0x60  }
0xb1: {  	[dreg:$0x2] =	wrdreg s2  }
0xb2: {  	[dreg:$0x3] =	wrdreg s19  }
0xb3: {  	[dreg:$0x4] =	wrdreg s4  }
0xb4: {  	[dreg:$0x5] =	wrdreg s5  }
0xb5: {  	[dreg:$0x6] =	wrdreg $0x9  }
0xb6: {  	_ =	task.clear_ibuf [dreg:s10], $0x7FFFF;
	_ =	strace $0x90000046  }
0xb7: {  	s29 =	simm.s32 $0x9;
	_ =	strace $0x80000048  }
0xb8: {  	_ =	swait.ge [sflag:s29], $0x1  }
0xb9: {  	[sflag:s29] =	ssyncadd.s32 $0xFFFFFFFF  }
0xba: {  	_ =	strace $0x90000048  }
0xbb: {  	_ =	sfence  }
0xbc: {  	s30 =	sld [smem:$0x0];
	_ =	sdelay $0x2  }
0xbd: {  	s31 =	sshll.u32 s1, $0xD;
	s1 =	sshrl.u32 s1, $0x2  }
0xbe: {  	s3 =	sand.u32 $0x4000, s31;
	s1 =	sadd.s32 s1, s30  }
0xbf: {  	s0 =	sor.u32 s3, s0;
	s1 =	sshll.u32 s1, $0x11  }
0xc0: {  	s0 =	sor.u32 s1, s0  }
0xc1: {  	s0 =	sadd.s32 $0x8F2B, s0  }
0xc2: {  	[sflag:s0] =	ssyncadd.remote.s32 $0x1  }
0xc3: {  	_ =	sfence.sel $0xFFFF  }
0xc4: {  	[dreg:$0x0] =	wrdreg $0xFFFFFFFF;
	(pc) =	sbr.abs _section_cstart, $3  }
0xc5: {  	[dreg:$0x1] =	wrdreg $0xFFFFFFFF  }
0xc6: {  	_ =	task.clear_ibuf [dreg:s10], $0x2FFFF;
	_ =	strace $0x9FFFFFFF  }
0xc7: {  	(tm) =	ssettm $0x7FFFFFFF  }
tec
execute0_lowered:
.L_overlay_start_1:
0x0: {  	(tag) =	ssettag $0x1  }
0x1: {  	s1 =	rddreg [dreg:$0x0]  }
0x2: {  	s0 =	rddreg [dreg:$0x1]  }
0x3: {  	s2 =	rddreg [dreg:$0x2]  }
0x4: {  	s3 =	rddreg [dreg:$0x3];
	s5 =	simm.s32 $0x0  }
0x5: {  	s4 =	srdreg.scid;
	s6 =	stileid.u32;
	s17 =	simm.s32 $0x5  }
0x6: {  	s23 =	simm.s32 $0xE400;
	s24 =	simm.s32 $0x2;
	s25 =	simm.s32 $0x6  }
0x7: {  	s13 =	simm.s32 $0x7;
	s15 =	simm.s32 $0x4;
	s10 =	simm.s32 $0x8  }
0x8: {  	s19 =	simm.s32 $0x0;
	[smem:$0x7FF] =	sst s5;
	s4 =	sand.u32 $0x1, s4  }
0x9: {  	s6 =	sshll.u32 s6, $0xB;
	s7 =	ssub.s32 $0x2, s4;
	s4 =	sshll.u32 s4, $0xA  }
0xa: {  	s9 =	sadd.s32 $0x100, s2;
	s8 =	sshrl.u32 s7, $0x1;
	s6 =	sor.u32 s4, s6  }
0xb: {  	s11 =	sadd.s32 $0x200, s2;
	s28 =	ssub.s32 s7, s8;
	s7 =	sshrl.u32 s6, $0x3  }
0xc: {  	s12 =	sadd.s32 $0x300, s2;
	s29 =	sshll.u32 s6, $0x7;
	s0 =	sadd.s32 s0, s7  }
0xd: {  	_ =	strace $0x80000047;
	s30 =	sadd.s32 s1, s29;
	[dreg:$0x5] =	wrdreg s0  }
0xe: {  	v0 =	vlaneseq.u32;
	s4 =	simm.s32 $0x1;
	s31 =	smax.u32 s28, $0x1;
	[dreg:$0x6] =	wrdreg s30  }
0xf: {  	v1 =	vshrl.u32 v0, $0x3;
	s8 =	simm.s32 $0x3;
	s0 =	sadd.s32 $0x400, s30;
	[dreg:$0x8] =	wrdreg s31  }
0x10: {  	vm0 =	vmmov $0xffff;
	v0 =	vand.u32 $0x7, v0;
	v1 =	vmul.u32 $0x8, v1;
	s14 =	sadd.s32 s3, s29;
	[dreg:$0x7] =	wrdreg s0;
	s0 =	simm.s32 $0xC400  }
.LBB2_1:
0x11: {  	[dreg:$0x9] =	wrdreg s19  }
0x12: {  	s16 =	rddreg [dreg:$0x5];
	s30 =	simm.s32 $0xD  }
0x13: {  	[tilespmem:s5], [sflag:$0xD] =	stream.linear.gather [hbm4b:s16+s5], $0x400, $0x38;
	[tilespmem:$0x10400] =	vst v63  }
0x14: {  	_ =	swait.ge [sflag:s30], $0x400  }
0x15: {  	[sflag:s30] =	ssyncset.done $0x0  }
0x16: {  	[sflag:s30] =	ssyncadd.s32 $0xFFFFFC00  }
0x17: {  	v2 =	vld.msk [tilespmem:$0x0], $0xff;
	_ =	sdelay $0x4  }
0x18: {  	v3 =	vshll.u32 v2, $0x3  }
0x19: {  	v2 =	vand.u32 $0x7, v2;
	v3 =	vand.u32 $0xFFFFFFC0, v3  }
0x1a: {  	v2 =	vor.u32 v2, v3  }
0x1b: {  	v2 =	vperm.xlane v2, v0;
	_ =	sdelay $0x1  }
0x1c: {  	v2 =	vadd.s32 v1, v2;
	_ =	sdelay $0x3  }
0x1d: {  	s31 =	simm.s32 $0x400  }
0x1e: {  	[tilespmem:s31], [sflag:$0x1] =	stream.indirect_vreg.gather [hbm4b:s2+s5], $0x80, v2, vm0, $0xb8;
	[tilespmem:$0x10400] =	vst v63  }
0x1f: {  	s18 =	simm.s32 $0xC00  }
0x20: {  	[tilespmem:s18], [sflag:$0x1] =	stream.indirect_vreg.gather [hbm4b:s9+s5], $0x80, v2, vm0, $0xb8;
	[tilespmem:$0x10400] =	vst v63  }
0x21: {  	s19 =	simm.s32 $0x1400  }
0x22: {  	[tilespmem:s19], [sflag:$0x1] =	stream.indirect_vreg.gather [hbm4b:s11+s5], $0x80, v2, vm0, $0xb8;
	[tilespmem:$0x10400] =	vst v63  }
0x23: {  	s20 =	simm.s32 $0x1C00  }
0x24: {  	[tilespmem:s20], [sflag:$0x1] =	stream.indirect_vreg.gather [hbm4b:s12+s5], $0x80, v2, vm0, $0xb8;
	[tilespmem:$0x10400] =	vst v63  }
0x25: {  	s21 =	rddreg [dreg:$0x6];
	s18 =	simm.s32 $0x8400  }
0x26: {  	[tilespmem:s18], [sflag:$0x5] =	stream.linear.gather [hbm4b:s21+s5], $0x2000, $0x38;
	[tilespmem:$0x10400] =	vst v63  }
0x27: {  	v2 =	vld.msk [tilespmem:$0x8], $0xff;
	_ =	sdelay $0x4  }
0x28: {  	v3 =	vshll.u32 v2, $0x3  }
0x29: {  	v2 =	vand.u32 $0x7, v2;
	v3 =	vand.u32 $0xFFFFFFC0, v3  }
0x2a: {  	v2 =	vor.u32 v2, v3  }
0x2b: {  	v2 =	vperm.xlane v2, v0;
	_ =	sdelay $0x1  }
0x2c: {  	v2 =	vadd.s32 v1, v2;
	_ =	sdelay $0x3  }
0x2d: {  	s22 =	simm.s32 $0x2400  }
0x2e: {  	[tilespmem:s22], [sflag:$0x2] =	stream.indirect_vreg.gather [hbm4b:s2+s5], $0x80, v2, vm0, $0xb8;
	[tilespmem:$0x10400] =	vst v63  }
0x2f: {  	s26 =	simm.s32 $0x2C00  }
0x30: {  	[tilespmem:s26], [sflag:$0x2] =	stream.indirect_vreg.gather [hbm4b:s9+s5], $0x80, v2, vm0, $0xb8;
	[tilespmem:$0x10400] =	vst v63  }
0x31: {  	s28 =	simm.s32 $0x3400  }
0x32: {  	[tilespmem:s28], [sflag:$0x2] =	stream.indirect_vreg.gather [hbm4b:s11+s5], $0x80, v2, vm0, $0xb8;
	[tilespmem:$0x10400] =	vst v63  }
0x33: {  	s29 =	simm.s32 $0x3C00  }
0x34: {  	[tilespmem:s29], [sflag:$0x2] =	stream.indirect_vreg.gather [hbm4b:s12+s5], $0x80, v2, vm0, $0xb8;
	[tilespmem:$0x10400] =	vst v63  }
0x35: {  	s16 =	simm.s32 $0x0;
	s30 =	rddreg [dreg:$0x7];
	s31 =	simm.s32 $0xA400  }
0x36: {  	[tilespmem:s31], [sflag:$0x6] =	stream.linear.gather [hbm4b:s30+s5], $0x2000, $0x38;
	[tilespmem:$0x10400] =	vst v63  }
.LBB2_2:
0x37: {  	p0 =	seq.s32 s16, $0x0  }
0x38: {  	s18 =	simm.s32 @!p0 $0xB  }
0x39: {  	s28 =	sshll.u32 s16, $0x2;
	_ =	swait.ge @!p0 [sflag:s18], $0x2000  }
0x3a: {  	s29 =	sor.u32 $0x2, s28;
	[sflag:s18] =	ssyncset.done @!p0 $0x0  }
0x3b: {  	[sflag:s18] =	ssyncadd.s32 @!p0 $0xFFFFE000;
	s18 =	sshll.u32 s29, $0x3  }
0x3c: {  	v2 =	vld.msk [tilespmem:s18+$0x0], $0xff;
	_ =	sdelay $0x4  }
0x3d: {  	v3 =	vshll.u32 v2, $0x3  }
0x3e: {  	v2 =	vand.u32 $0x7, v2;
	v3 =	vand.u32 $0xFFFFFFC0, v3  }
0x3f: {  	v2 =	vor.u32 v2, v3  }
0x40: {  	v2 =	vperm.xlane v2, v0;
	_ =	sdelay $0x1  }
0x41: {  	v2 =	vadd.s32 v1, v2;
	_ =	sdelay $0x3  }
0x42: {  	s19 =	simm.s32 $0x0;
	s20 =	simm.s32 $0x4400  }
0x43: {  	[tilespmem:s20], [sflag:$0x3] =	stream.indirect_vreg.gather [hbm4b:s2+s19], $0x80, v2, vm0, $0xb8;
	[tilespmem:$0x10400] =	vst v63  }
0x44: {  	s22 =	simm.s32 $0x4C00  }
0x45: {  	[tilespmem:s22], [sflag:$0x3] =	stream.indirect_vreg.gather [hbm4b:s9+s19], $0x80, v2, vm0, $0xb8;
	[tilespmem:$0x10400] =	vst v63  }
0x46: {  	s26 =	simm.s32 $0x5400;
	s18 =	sadd.s32 s6, s18  }
0x47: {  	[tilespmem:s26], [sflag:$0x3] =	stream.indirect_vreg.gather [hbm4b:s11+s19], $0x80, v2, vm0, $0xb8;
	[tilespmem:$0x10400] =	vst v63  }
0x48: {  	s21 =	simm.s32 $0x5C00;
	s18 =	sshll.u32 s18, $0x7  }
0x49: {  	[tilespmem:s21], [sflag:$0x3] =	stream.indirect_vreg.gather [hbm4b:s12+s19], $0x80, v2, vm0, $0xb8;
	[tilespmem:$0x10400] =	vst v63  }
0x4a: {  	s18 =	sadd.s32 s1, s18  }
0x4b: {  	[tilespmem:s0], [sflag:$0x7] =	stream.linear.gather [hbm4b:s18+s19], $0x2000, $0x38;
	[tilespmem:$0x10400] =	vst v63  }
0x4c: {  	_ =	swait.ge [sflag:s4], $0x2000  }
0x4d: {  	s22 =	simm.s32 $0x0;
	[sflag:s4] =	ssyncset.done $0x0  }
0x4e: {  	s18 =	smul.u32 $0xFFFF8200, s22;
	[sflag:s4] =	ssyncadd.s32 $0xFFFFE000  }
0x4f: {  	_ =	swait.ge [sflag:s17], $0x2000  }
0x50: {  	s18 =	sshra.s32 s18, $0x2;
	[sflag:s17] =	ssyncset.done $0x0  }
0x51: {  	s26 =	sadd.s32 $0x400, s18;
	[sflag:s17] =	ssyncadd.s32 $0xFFFFE000  }
0x52: {  	v3 =	vld [tilespmem:s26+$0x70]  }
0x53: {  	v7 =	vld [tilespmem:s26+$0x0]  }
0x54: {  	v8 =	vld [tilespmem:s26+$0x10]  }
0x55: {  	v2 =	vld [tilespmem:s26+$0x20]  }
0x56: {  	v4 =	vld [tilespmem:s26+$0x30]  }
0x57: {  	v6 =	vld [tilespmem:s26+$0x40]  }
0x58: {  	s30 =	sadd.s32 $0x8400, s18;
	v5 =	vld [tilespmem:s26+$0x50]  }
0x59: {  	[tilespmem:s30+$0x70] =	vst.add.f32.msk $0xffff, v3  }
0x5a: {  	v3 =	vld [tilespmem:s26+$0x60]  }
0x5b: {  	s31 =	simm.s32 $0x8400;
	[tilespmem:s30+$0x0] =	vst.add.f32.msk $0xffff, v7  }
0x5c: {  	s20 =	simm.s32 $0x8;
	s19 =	simm.s32 $0x0;
	s18 =	simm.s32 $0x400;
	[tilespmem:s30+$0x10] =	vst.add.f32.msk $0xffff, v8  }
.LBB2_3:
0x5d: {  	s22 =	sshrl.u32 s20, $0x6;
	s19 =	sadd.s32 $0x8, s19;
	[tilespmem:s30+$0x20] =	vst.add.f32.msk $0xffff, v2  }
0x5e: {  	s22 =	smul.u32 $0xFFFF8200, s22;
	p1 =	slt.u32 s19, $0x1F8;
	[tilespmem:s30+$0x30] =	vst.add.f32.msk $0xffff, v4  }
0x5f: {  	[tilespmem:s30+$0x40] =	vst.add.f32.msk $0xffff, v6  }
0x60: {  	s18 =	sadd.s32 $0x400, s18;
	s22 =	sshra.s32 s22, $0x2;
	[tilespmem:s30+$0x50] =	vst.add.f32.msk $0xffff, v5  }
0x61: {  	s21 =	sadd.s32 s22, s18;
	[tilespmem:s30+$0x60] =	vst.add.f32.msk $0xffff, v3  }
0x62: {  	v3 =	vld [tilespmem:s21+$0x70]  }
0x63: {  	v7 =	vld [tilespmem:s21+$0x0]  }
0x64: {  	v8 =	vld [tilespmem:s21+$0x10]  }
0x65: {  	s31 =	sadd.s32 $0x400, s31;
	v2 =	vld [tilespmem:s21+$0x20]  }
0x66: {  	s30 =	sadd.s32 s22, s31;
	v4 =	vld [tilespmem:s21+$0x30]  }
0x67: {  	[tilespmem:s30+$0x70] =	vst.add.f32.msk $0xffff, v3  }
.Ltmp0:
0x68: {  	v6 =	vld [tilespmem:s21+$0x40];
	(pc) =	sbr.rel @p1 .LBB2_3-.Ltmp0, $4  }
0x69: {  	v5 =	vld [tilespmem:s21+$0x50]  }
0x6a: {  	v3 =	vld [tilespmem:s21+$0x60]  }
0x6b: {  	[tilespmem:s30+$0x0] =	vst.add.f32.msk $0xffff, v7  }
0x6c: {  	s20 =	sadd.s32 $0x8, s20;
	[tilespmem:s30+$0x10] =	vst.add.f32.msk $0xffff, v8  }
0x6d: {  	[tilespmem:s30+$0x20] =	vst.add.f32.msk $0xffff, v2  }
0x6e: {  	[tilespmem:s30+$0x30] =	vst.add.f32.msk $0xffff, v4  }
0x6f: {  	[tilespmem:s30+$0x40] =	vst.add.f32.msk $0xffff, v6  }
0x70: {  	s18 =	sshll.u32 s16, $0xC;
	[tilespmem:s30+$0x50] =	vst.add.f32.msk $0xffff, v5  }
0x71: {  	s19 =	simm.s32 $0x8400;
	s18 =	sadd.s32 s18, s14;
	[tilespmem:s30+$0x60] =	vst.add.f32.msk $0xffff, v3  }
0x72: {  	[hbm4b:s18+s5] =	stream.linear.scatter [tilespmem:s19], [sflag:$0x9], $0x2000, $0x38;
	[tilespmem:$0x10400] =	vst v63  }
0x73: {  	s18 =	simm.s32 @!p0 $0xC  }
0x74: {  	_ =	swait.ge @!p0 [sflag:s18], $0x2000  }
0x75: {  	s28 =	sor.u32 $0x3, s28;
	[sflag:s18] =	ssyncset.done @!p0 $0x0  }
0x76: {  	[sflag:s18] =	ssyncadd.s32 @!p0 $0xFFFFE000;
	s18 =	sshll.u32 s28, $0x3  }
0x77: {  	v2 =	vld.msk [tilespmem:s18+$0x0], $0xff;
	_ =	sdelay $0x4  }
0x78: {  	v3 =	vshll.u32 v2, $0x3  }
0x79: {  	v2 =	vand.u32 $0x7, v2;
	v3 =	vand.u32 $0xFFFFFFC0, v3  }
0x7a: {  	v2 =	vor.u32 v2, v3  }
0x7b: {  	v2 =	vperm.xlane v2, v0;
	_ =	sdelay $0x1  }
0x7c: {  	v2 =	vadd.s32 v1, v2;
	_ =	sdelay $0x3  }
0x7d: {  	s20 =	simm.s32 $0x6400;
	s19 =	simm.s32 $0x0  }
0x7e: {  	[tilespmem:s20], [sflag:$0x4] =	stream.indirect_vreg.gather [hbm4b:s2+s19], $0x80, v2, vm0, $0xb8;
	[tilespmem:$0x10400] =	vst v63  }
0x7f: {  	s22 =	simm.s32 $0x6C00  }
0x80: {  	[tilespmem:s22], [sflag:$0x4] =	stream.indirect_vreg.gather [hbm4b:s9+s19], $0x80, v2, vm0, $0xb8;
	[tilespmem:$0x10400] =	vst v63  }
0x81: {  	s26 =	simm.s32 $0x7400;
	s18 =	sadd.s32 s6, s18  }
0x82: {  	[tilespmem:s26], [sflag:$0x4] =	stream.indirect_vreg.gather [hbm4b:s11+s19], $0x80, v2, vm0, $0xb8;
	[tilespmem:$0x10400] =	vst v63  }
0x83: {  	s21 =	simm.s32 $0x7C00;
	s18 =	sshll.u32 s18, $0x7  }
0x84: {  	[tilespmem:s21], [sflag:$0x4] =	stream.indirect_vreg.gather [hbm4b:s12+s19], $0x80, v2, vm0, $0xb8;
	[tilespmem:$0x10400] =	vst v63  }
0x85: {  	s18 =	sadd.s32 s1, s18  }
0x86: {  	[tilespmem:s23], [sflag:$0x8] =	stream.linear.gather [hbm4b:s18+s19], $0x2000, $0x38;
	[tilespmem:$0x10400] =	vst v63  }
0x87: {  	_ =	swait.ge [sflag:s24], $0x2000  }
0x88: {  	s22 =	simm.s32 $0x0;
	[sflag:s24] =	ssyncset.done $0x0  }
0x89: {  	s18 =	smul.u32 $0xFFFF8200, s22;
	[sflag:s24] =	ssyncadd.s32 $0xFFFFE000  }
0x8a: {  	_ =	swait.ge [sflag:s25], $0x2000  }
0x8b: {  	s18 =	sshra.s32 s18, $0x2;
	[sflag:s25] =	ssyncset.done $0x0  }
0x8c: {  	s26 =	sadd.s32 $0x400, s18;
	[sflag:s25] =	ssyncadd.s32 $0xFFFFE000  }
0x8d: {  	v2 =	vld [tilespmem:s26+$0x2070]  }
0x8e: {  	v7 =	vld [tilespmem:s26+$0x2000]  }
0x8f: {  	v8 =	vld [tilespmem:s26+$0x2010]  }
0x90: {  	v3 =	vld [tilespmem:s26+$0x2020]  }
0x91: {  	v4 =	vld [tilespmem:s26+$0x2030]  }
0x92: {  	v6 =	vld [tilespmem:s26+$0x2040]  }
0x93: {  	s31 =	sadd.s32 $0x8400, s18;
	v5 =	vld [tilespmem:s26+$0x2050]  }
0x94: {  	[tilespmem:s31+$0x2070] =	vst.add.f32.msk $0xffff, v2  }
0x95: {  	v2 =	vld [tilespmem:s26+$0x2060]  }
0x96: {  	s30 =	simm.s32 $0x8400;
	[tilespmem:s31+$0x2000] =	vst.add.f32.msk $0xffff, v7  }
0x97: {  	s20 =	simm.s32 $0x8;
	s19 =	simm.s32 $0x0;
	s18 =	simm.s32 $0x400;
	[tilespmem:s31+$0x2010] =	vst.add.f32.msk $0xffff, v8  }
.LBB2_5:
0x98: {  	s21 =	sshrl.u32 s20, $0x6;
	s19 =	sadd.s32 $0x8, s19;
	[tilespmem:s31+$0x2020] =	vst.add.f32.msk $0xffff, v3  }
0x99: {  	s21 =	smul.u32 $0xFFFF8200, s21;
	p0 =	slt.u32 s19, $0x1F8;
	[tilespmem:s31+$0x2030] =	vst.add.f32.msk $0xffff, v4  }
0x9a: {  	[tilespmem:s31+$0x2040] =	vst.add.f32.msk $0xffff, v6  }
0x9b: {  	s18 =	sadd.s32 $0x400, s18;
	s21 =	sshra.s32 s21, $0x2;
	[tilespmem:s31+$0x2050] =	vst.add.f32.msk $0xffff, v5  }
0x9c: {  	s22 =	sadd.s32 s21, s18;
	[tilespmem:s31+$0x2060] =	vst.add.f32.msk $0xffff, v2  }
0x9d: {  	v2 =	vld [tilespmem:s22+$0x2070]  }
0x9e: {  	v7 =	vld [tilespmem:s22+$0x2000]  }
0x9f: {  	v8 =	vld [tilespmem:s22+$0x2010]  }
0xa0: {  	s30 =	sadd.s32 $0x400, s30;
	v3 =	vld [tilespmem:s22+$0x2020]  }
0xa1: {  	s31 =	sadd.s32 s21, s30;
	v4 =	vld [tilespmem:s22+$0x2030]  }
0xa2: {  	[tilespmem:s31+$0x2070] =	vst.add.f32.msk $0xffff, v2  }
.Ltmp1:
0xa3: {  	v6 =	vld [tilespmem:s22+$0x2040];
	(pc) =	sbr.rel @p0 .LBB2_5-.Ltmp1, $4  }
0xa4: {  	v5 =	vld [tilespmem:s22+$0x2050]  }
0xa5: {  	v2 =	vld [tilespmem:s22+$0x2060]  }
0xa6: {  	[tilespmem:s31+$0x2000] =	vst.add.f32.msk $0xffff, v7  }
0xa7: {  	s20 =	sadd.s32 $0x8, s20;
	[tilespmem:s31+$0x2010] =	vst.add.f32.msk $0xffff, v8  }
0xa8: {  	[tilespmem:s31+$0x2020] =	vst.add.f32.msk $0xffff, v3;
	s30 =	sshll.u32 s16, $0x5  }
0xa9: {  	[tilespmem:s31+$0x2030] =	vst.add.f32.msk $0xffff, v4;
	s18 =	sadd.s32 s30, s6  }
0xaa: {  	[tilespmem:s31+$0x2040] =	vst.add.f32.msk $0xffff, v6;
	s18 =	sshll.u32 s18, $0x7  }
0xab: {  	[tilespmem:s31+$0x2050] =	vst.add.f32.msk $0xffff, v5;
	s18 =	sadd.s32 s3, s18  }
0xac: {  	s19 =	simm.s32 $0xA400;
	p0 =	seq.s32 s16, $0x1F;
	[tilespmem:s31+$0x2060] =	vst.add.f32.msk $0xffff, v2;
	s18 =	sadd.s32 $0x400, s18  }
0xad: {  	[hbm4b:s18+s5] =	stream.linear.scatter [tilespmem:s19], [sflag:$0xA], $0x2000, $0x38;
	[tilespmem:$0x10400] =	vst v63  }
0xae: {  	s18 =	simm.s32 @!p0 $0x9  }
0xaf: {  	_ =	swait.ge @!p0 [sflag:s18], $0x2000  }
0xb0: {  	[sflag:s18] =	ssyncset.done @!p0 $0x0  }
0xb1: {  	[sflag:s18] =	ssyncadd.s32 @!p0 $0xFFFFE000  }
0xb2: {  	v2 =	vld.msk @!p0 [tilespmem:s30+$0x20], $0xff;
	_ =	sdelay $0x4  }
0xb3: {  	v3 =	vshll.u32 @!p0 v2, $0x3  }
0xb4: {  	v4 =	vlaneseq.u32 @!p0;
	v2 =	vand.u32 @!p0 $0x7, v2;
	v3 =	vand.u32 @!p0 $0xFFFFFFC0, v3  }
0xb5: {  	v2 =	vor.u32 @!p0 v2, v3;
	v3 =	vand.u32 @!p0 $0x7, v4;
	v4 =	vshrl.u32 @!p0 v4, $0x3  }
0xb6: {  	v2 =	vperm.xlane @!p0 v2, v3;
	v3 =	vmul.u32 @!p0 $0x8, v4;
	_ =	sdelay $0x1  }
0xb7: {  	v2 =	vadd.s32 @!p0 v3, v2;
	_ =	sdelay $0x3  }
0xb8: {  	vm1 =	vmmov @!p0 $0xffff;
	s19 =	simm.s32 @!p0 $0x400;
	s18 =	simm.s32 @!p0 $0x0  }
0xb9: {  	[tilespmem:s19], [sflag:$0x1] =	stream.indirect_vreg.gather @!p0 [hbm4b:s2+s18], $0x80, v2, vm1, $0xb8;
	[tilespmem:$0x10400] =	vst v63  }
0xba: {  	s19 =	simm.s32 @!p0 $0xC00  }
0xbb: {  	[tilespmem:s19], [sflag:$0x1] =	stream.indirect_vreg.gather @!p0 [hbm4b:s9+s18], $0x80, v2, vm1, $0xb8;
	[tilespmem:$0x10400] =	vst v63  }
0xbc: {  	s19 =	simm.s32 @!p0 $0x1400  }
0xbd: {  	[tilespmem:s19], [sflag:$0x1] =	stream.indirect_vreg.gather @!p0 [hbm4b:s11+s18], $0x80, v2, vm1, $0xb8;
	[tilespmem:$0x10400] =	vst v63  }
0xbe: {  	s19 =	sadd.s32 @!p0 $0x20, s30  }
0xbf: {  	s20 =	simm.s32 @!p0 $0x1C00;
	s19 =	sadd.s32 @!p0 s6, s19  }
0xc0: {  	[tilespmem:s20], [sflag:$0x1] =	stream.indirect_vreg.gather @!p0 [hbm4b:s12+s18], $0x80, v2, vm1, $0xb8;
	[tilespmem:$0x10400] =	vst v63  }
0xc1: {  	s19 =	sshll.u32 @!p0 s19, $0x7  }
0xc2: {  	s20 =	simm.s32 @!p0 $0x8400;
	s19 =	sadd.s32 @!p0 s1, s19  }
0xc3: {  	[tilespmem:s20], [sflag:$0x5] =	stream.linear.gather @!p0 [hbm4b:s19+s18], $0x2000, $0x38;
	[tilespmem:$0x10400] =	vst v63  }
0xc4: {  	_ =	swait.ge [sflag:s8], $0x2000  }
0xc5: {  	s22 =	simm.s32 $0x0;
	[sflag:s8] =	ssyncset.done $0x0  }
0xc6: {  	s18 =	smul.u32 $0xFFFF8200, s22;
	[sflag:s8] =	ssyncadd.s32 $0xFFFFE000  }
0xc7: {  	_ =	swait.ge [sflag:s13], $0x2000  }
0xc8: {  	s18 =	sshra.s32 s18, $0x2;
	[sflag:s13] =	ssyncset.done $0x0  }
0xc9: {  	s26 =	sadd.s32 $0x400, s18;
	[sflag:s13] =	ssyncadd.s32 $0xFFFFE000  }
0xca: {  	v2 =	vld [tilespmem:s26+$0x4070]  }
0xcb: {  	v7 =	vld [tilespmem:s26+$0x4000]  }
0xcc: {  	v8 =	vld [tilespmem:s26+$0x4010]  }
0xcd: {  	v3 =	vld [tilespmem:s26+$0x4020]  }
0xce: {  	v4 =	vld [tilespmem:s26+$0x4030]  }
0xcf: {  	v6 =	vld [tilespmem:s26+$0x4040]  }
0xd0: {  	s31 =	sadd.s32 $0x8400, s18;
	v5 =	vld [tilespmem:s26+$0x4050]  }
0xd1: {  	[tilespmem:s31+$0x4070] =	vst.add.f32.msk $0xffff, v2  }
0xd2: {  	v2 =	vld [tilespmem:s26+$0x4060]  }
0xd3: {  	s19 =	simm.s32 $0x400;
	[tilespmem:s31+$0x4000] =	vst.add.f32.msk $0xffff, v7  }
0xd4: {  	s20 =	simm.s32 $0x0;
	s22 =	simm.s32 $0x8;
	s18 =	simm.s32 $0x8400;
	[tilespmem:s31+$0x4010] =	vst.add.f32.msk $0xffff, v8  }
.LBB2_7:
0xd5: {  	s21 =	sshrl.u32 s22, $0x6;
	s20 =	sadd.s32 $0x8, s20;
	[tilespmem:s31+$0x4020] =	vst.add.f32.msk $0xffff, v3  }
0xd6: {  	s21 =	smul.u32 $0xFFFF8200, s21;
	p1 =	slt.u32 s20, $0x1F8;
	[tilespmem:s31+$0x4030] =	vst.add.f32.msk $0xffff, v4  }
0xd7: {  	[tilespmem:s31+$0x4040] =	vst.add.f32.msk $0xffff, v6  }
0xd8: {  	s19 =	sadd.s32 $0x400, s19;
	s21 =	sshra.s32 s21, $0x2;
	[tilespmem:s31+$0x4050] =	vst.add.f32.msk $0xffff, v5  }
0xd9: {  	s26 =	sadd.s32 s21, s19;
	[tilespmem:s31+$0x4060] =	vst.add.f32.msk $0xffff, v2  }
0xda: {  	v2 =	vld [tilespmem:s26+$0x4070]  }
0xdb: {  	v7 =	vld [tilespmem:s26+$0x4000]  }
0xdc: {  	v8 =	vld [tilespmem:s26+$0x4010]  }
0xdd: {  	s18 =	sadd.s32 $0x400, s18;
	v3 =	vld [tilespmem:s26+$0x4020]  }
0xde: {  	s31 =	sadd.s32 s21, s18;
	v4 =	vld [tilespmem:s26+$0x4030]  }
0xdf: {  	[tilespmem:s31+$0x4070] =	vst.add.f32.msk $0xffff, v2  }
.Ltmp2:
0xe0: {  	v6 =	vld [tilespmem:s26+$0x4040];
	(pc) =	sbr.rel @p1 .LBB2_7-.Ltmp2, $4  }
0xe1: {  	v5 =	vld [tilespmem:s26+$0x4050]  }
0xe2: {  	v2 =	vld [tilespmem:s26+$0x4060]  }
0xe3: {  	[tilespmem:s31+$0x4000] =	vst.add.f32.msk $0xffff, v7  }
0xe4: {  	s22 =	sadd.s32 $0x8, s22;
	[tilespmem:s31+$0x4010] =	vst.add.f32.msk $0xffff, v8  }
0xe5: {  	[tilespmem:s31+$0x4020] =	vst.add.f32.msk $0xffff, v3  }
0xe6: {  	[tilespmem:s31+$0x4030] =	vst.add.f32.msk $0xffff, v4  }
0xe7: {  	[tilespmem:s31+$0x4040] =	vst.add.f32.msk $0xffff, v6;
	s18 =	sadd.s32 s7, s29  }
0xe8: {  	[tilespmem:s31+$0x4050] =	vst.add.f32.msk $0xffff, v5;
	s18 =	sshll.u32 s18, $0xA  }
0xe9: {  	[tilespmem:s31+$0x4060] =	vst.add.f32.msk $0xffff, v2;
	s18 =	sadd.s32 s3, s18  }
0xea: {  	[hbm4b:s18+s5] =	stream.linear.scatter [tilespmem:s0], [sflag:$0xB], $0x2000, $0x38;
	[tilespmem:$0x10400] =	vst v63  }
0xeb: {  	s18 =	simm.s32 @!p0 $0xA  }
0xec: {  	_ =	swait.ge @!p0 [sflag:s18], $0x2000  }
0xed: {  	[sflag:s18] =	ssyncset.done @!p0 $0x0  }
0xee: {  	[sflag:s18] =	ssyncadd.s32 @!p0 $0xFFFFE000  }
0xef: {  	v2 =	vld.msk @!p0 [tilespmem:s30+$0x28], $0xff;
	_ =	sdelay $0x4  }
0xf0: {  	v3 =	vshll.u32 @!p0 v2, $0x3  }
0xf1: {  	v4 =	vlaneseq.u32 @!p0;
	v2 =	vand.u32 @!p0 $0x7, v2;
	v3 =	vand.u32 @!p0 $0xFFFFFFC0, v3  }
0xf2: {  	v2 =	vor.u32 @!p0 v2, v3;
	v3 =	vand.u32 @!p0 $0x7, v4;
	v4 =	vshrl.u32 @!p0 v4, $0x3  }
0xf3: {  	v2 =	vperm.xlane @!p0 v2, v3;
	v3 =	vmul.u32 @!p0 $0x8, v4;
	_ =	sdelay $0x1  }
0xf4: {  	v2 =	vadd.s32 @!p0 v3, v2;
	_ =	sdelay $0x3  }
0xf5: {  	s19 =	simm.s32 @!p0 $0x2400;
	s18 =	simm.s32 @!p0 $0x0  }
0xf6: {  	[tilespmem:s19], [sflag:$0x2] =	stream.indirect_vreg.gather @!p0 [hbm4b:s2+s18], $0x80, v2, vm1, $0xb8;
	[tilespmem:$0x10400] =	vst v63  }
0xf7: {  	s19 =	simm.s32 @!p0 $0x2C00  }
0xf8: {  	[tilespmem:s19], [sflag:$0x2] =	stream.indirect_vreg.gather @!p0 [hbm4b:s9+s18], $0x80, v2, vm1, $0xb8;
	[tilespmem:$0x10400] =	vst v63  }
0xf9: {  	s19 =	simm.s32 @!p0 $0x3400  }
0xfa: {  	[tilespmem:s19], [sflag:$0x2] =	stream.indirect_vreg.gather @!p0 [hbm4b:s11+s18], $0x80, v2, vm1, $0xb8;
	[tilespmem:$0x10400] =	vst v63  }
0xfb: {  	s19 =	sadd.s32 @!p0 $0x28, s30  }
0xfc: {  	s20 =	simm.s32 @!p0 $0x3C00;
	s19 =	sadd.s32 @!p0 s6, s19  }
0xfd: {  	[tilespmem:s20], [sflag:$0x2] =	stream.indirect_vreg.gather @!p0 [hbm4b:s12+s18], $0x80, v2, vm1, $0xb8;
	[tilespmem:$0x10400] =	vst v63  }
0xfe: {  	s19 =	sshll.u32 @!p0 s19, $0x7  }
0xff: {  	s20 =	simm.s32 @!p0 $0xA400;
	s19 =	sadd.s32 @!p0 s1, s19  }
0x100: {  	[tilespmem:s20], [sflag:$0x6] =	stream.linear.gather @!p0 [hbm4b:s19+s18], $0x2000, $0x38;
	[tilespmem:$0x10400] =	vst v63  }
0x101: {  	_ =	swait.ge [sflag:s15], $0x2000  }
0x102: {  	s30 =	simm.s32 $0x0;
	[sflag:s15] =	ssyncset.done $0x0  }
0x103: {  	s18 =	smul.u32 $0xFFFF8200, s30;
	[sflag:s15] =	ssyncadd.s32 $0xFFFFE000  }
0x104: {  	_ =	swait.ge [sflag:s10], $0x2000  }
0x105: {  	s18 =	sshra.s32 s18, $0x2;
	[sflag:s10] =	ssyncset.done $0x0  }
0x106: {  	s31 =	sadd.s32 $0x400, s18;
	[sflag:s10] =	ssyncadd.s32 $0xFFFFE000  }
0x107: {  	v2 =	vld [tilespmem:s31+$0x6070]  }
0x108: {  	v7 =	vld [tilespmem:s31+$0x6000]  }
0x109: {  	v8 =	vld [tilespmem:s31+$0x6010]  }
0x10a: {  	v3 =	vld [tilespmem:s31+$0x6020]  }
0x10b: {  	v4 =	vld [tilespmem:s31+$0x6030]  }
0x10c: {  	v6 =	vld [tilespmem:s31+$0x6040]  }
0x10d: {  	s29 =	sadd.s32 $0x8400, s18;
	v5 =	vld [tilespmem:s31+$0x6050]  }
0x10e: {  	[tilespmem:s29+$0x6070] =	vst.add.f32.msk $0xffff, v2  }
0x10f: {  	v2 =	vld [tilespmem:s31+$0x6060]  }
0x110: {  	s22 =	simm.s32 $0x8;
	[tilespmem:s29+$0x6000] =	vst.add.f32.msk $0xffff, v7  }
0x111: {  	s19 =	simm.s32 $0x400;
	s20 =	simm.s32 $0x0;
	s18 =	simm.s32 $0x8400;
	[tilespmem:s29+$0x6010] =	vst.add.f32.msk $0xffff, v8  }
.LBB2_9:
0x112: {  	s21 =	sshrl.u32 s22, $0x6;
	s20 =	sadd.s32 $0x8, s20;
	[tilespmem:s29+$0x6020] =	vst.add.f32.msk $0xffff, v3  }
0x113: {  	s21 =	smul.u32 $0xFFFF8200, s21;
	p0 =	slt.u32 s20, $0x1F8;
	[tilespmem:s29+$0x6030] =	vst.add.f32.msk $0xffff, v4  }
0x114: {  	[tilespmem:s29+$0x6040] =	vst.add.f32.msk $0xffff, v6  }
0x115: {  	s19 =	sadd.s32 $0x400, s19;
	s21 =	sshra.s32 s21, $0x2;
	[tilespmem:s29+$0x6050] =	vst.add.f32.msk $0xffff, v5  }
0x116: {  	s26 =	sadd.s32 s21, s19;
	[tilespmem:s29+$0x6060] =	vst.add.f32.msk $0xffff, v2  }
0x117: {  	v2 =	vld [tilespmem:s26+$0x6070]  }
0x118: {  	v7 =	vld [tilespmem:s26+$0x6000]  }
0x119: {  	v8 =	vld [tilespmem:s26+$0x6010]  }
0x11a: {  	s18 =	sadd.s32 $0x400, s18;
	v3 =	vld [tilespmem:s26+$0x6020]  }
0x11b: {  	s29 =	sadd.s32 s21, s18;
	v4 =	vld [tilespmem:s26+$0x6030]  }
0x11c: {  	[tilespmem:s29+$0x6070] =	vst.add.f32.msk $0xffff, v2  }
.Ltmp3:
0x11d: {  	v6 =	vld [tilespmem:s26+$0x6040];
	(pc) =	sbr.rel @p0 .LBB2_9-.Ltmp3, $4  }
0x11e: {  	v5 =	vld [tilespmem:s26+$0x6050]  }
0x11f: {  	v2 =	vld [tilespmem:s26+$0x6060]  }
0x120: {  	[tilespmem:s29+$0x6000] =	vst.add.f32.msk $0xffff, v7  }
0x121: {  	s22 =	sadd.s32 $0x8, s22;
	[tilespmem:s29+$0x6010] =	vst.add.f32.msk $0xffff, v8  }
0x122: {  	s16 =	sadd.s32 $0x1, s16  }
0x123: {  	[tilespmem:s29+$0x6020] =	vst.add.f32.msk $0xffff, v3;
	p0 =	sne.s32 s16, $0x20  }
.Ltmp4:
0x124: {  	[tilespmem:s29+$0x6030] =	vst.add.f32.msk $0xffff, v4;
	(pc) =	sbr.rel @p0 .LBB2_2-.Ltmp4, $4  }
0x125: {  	[tilespmem:s29+$0x6040] =	vst.add.f32.msk $0xffff, v6;
	s18 =	sadd.s32 s7, s28  }
0x126: {  	[tilespmem:s29+$0x6050] =	vst.add.f32.msk $0xffff, v5;
	s18 =	sshll.u32 s18, $0xA  }
0x127: {  	[tilespmem:s29+$0x6060] =	vst.add.f32.msk $0xffff, v2;
	s18 =	sadd.s32 s3, s18  }
0x128: {  	[hbm4b:s18+s5] =	stream.linear.scatter [tilespmem:s23], [sflag:$0xC], $0x2000, $0x38;
	[tilespmem:$0x10400] =	vst v63  }
0x129: {  	s16 =	simm.s32 $0x9  }
0x12a: {  	_ =	swait.ge [sflag:s16], $0x2000  }
0x12b: {  	[sflag:s16] =	ssyncset.done $0x0  }
0x12c: {  	s29 =	simm.s32 $0xA;
	[sflag:s16] =	ssyncadd.s32 $0xFFFFE000  }
0x12d: {  	_ =	swait.ge [sflag:s29], $0x2000  }
0x12e: {  	[sflag:s29] =	ssyncset.done $0x0  }
0x12f: {  	s30 =	simm.s32 $0xB;
	[sflag:s29] =	ssyncadd.s32 $0xFFFFE000  }
0x130: {  	_ =	swait.ge [sflag:s30], $0x2000  }
0x131: {  	[sflag:s30] =	ssyncset.done $0x0  }
0x132: {  	s18 =	simm.s32 $0xC;
	[sflag:s30] =	ssyncadd.s32 $0xFFFFE000  }
0x133: {  	_ =	swait.ge [sflag:s18], $0x2000  }
0x134: {  	s19 =	rddreg [dreg:$0x9]  }
0x135: {  	s31 =	rddreg [dreg:$0x8];
	s19 =	sadd.s32 $0x1, s19  }
0x136: {  	p0 =	sne.s32 s19, s31  }
.Ltmp5:
0x137: {  	_ = 	snop;
	(pc) =	sbr.rel @p0 .LBB2_1-.Ltmp5, $3  }
0x138: {  	_ =	sdelay $0x1  }
0x139: {  	[sflag:s18] =	ssyncset.done $0x0  }
0x13a: {  	[sflag:s18] =	ssyncadd.s32 $0xFFFFE000  }
0x13b: {  	_ =	sfence.sel $0x180000  }
0x13c: {  	[bflag:$0x0] =	sbarrier.arrive $0xFFFF  }
0x13d: {  	_ =	strace $0x90000047  }
0x13e: {  	s0 =	stileid.u32;
	[bflag:$0x2] =	sbarrier.arrive $0xFFFF  }
0x13f: {  	p0 =	sne.s32 s0, $0x0;
	s0 =	rddreg [dreg:$0x4]  }
0x140: {  	s0 =	sadd.s32 @!p0 $0x100000, s0  }
0x141: {  	[sflag:s0] =	ssyncadd.tile.s32 @!p0 $0x1;
	_ =	shalt  }
.Lfunc_end2:
_tile_overlayer_lowered:
.L_overlay_start_2:
0x142: {  	(tag) =	ssettag $0x2  }
0x143: {  	s0 =	rddreg [dreg:$0x0];
	s2 =	stileid.u32  }
0x144: {  	s1 =	rddreg [dreg:$0x1];
	p0 =	sne.s32 s2, $0x0  }
0x145: {  	s3 =	rddreg [dreg:$0x2];
	[bflag:$0x3] =	sbarrier.arrive $0xFFFF;
	s2 =	simm.s32 @!p0 $0x1C0D  }
0x146: {  	[timem:s3], [sflag:s2] =	dma.local @!p0 [hbm:s0], s1  }
0x147: {  	s0 =	simm.s32 @!p0 $0xD  }
0x148: {  	_ =	swait.ge @!p0 [sflag:s0], s1  }
0x149: {  	s1 =	ssub.s32 @!p0 $0x0, s1;
	[sflag:s0] =	ssyncset.done @!p0 $0x0  }
0x14a: {  	[sflag:s0] =	ssyncadd.s32 @!p0 s1  }
0x14b: {  	[bflag:$0x3] =	sbarrier.arrive $0xFFFF  }
0x14c: {  	_ =	shalt  }

</sc_bundles>
